<compile_context>
chip_gen: v7x
topology: tpu7x:2x2x1
jax: 0.10.2.dev20260603
libtpu: 0.0.44.dev20260713+nightly
codegen_flags: <defaults>
</compile_context>

<pallas_src>
import functools

import jax
import jax.numpy as jnp
from jax import lax
from jax.experimental import pallas as pl
from jax.experimental.pallas import tpu as pltpu
from jax.experimental.pallas import tpu_sc as plsc

N = 10000
D = 128
H = 128
E0 = 320000

NC = 2
NS = 16
NW = NC * NS
NP = 10240
STRIPE = NP // NS
CH = 128
NCHUNK = 80
EPT = NCHUNK * CH
EP = EPT * NW



def _mesh():
    return plsc.VectorSubcoreMesh(
        core_axis_name="c", subcore_axis_name="s",
        num_cores=NC, num_subcores=NS)


@functools.cache
def _get_sc_counts():
    return functools.partial(
        pl.kernel,
        out_type=jax.ShapeDtypeStruct((NC * NP, H), jnp.float32),
        mesh=_mesh(),
        scratch_types=[
            pltpu.VMEM((CH,), jnp.int32),
            pltpu.VMEM((CH,), jnp.int32),
            pltpu.VMEM((CH,), jnp.int32),
            pltpu.VMEM((CH,), jnp.int32),
            pltpu.VMEM((CH, H), jnp.float32),
            pltpu.VMEM_SHARED((NP, H), jnp.float32),
            pltpu.SemaphoreType.DMA,
            pltpu.SemaphoreType.DMA,
            pltpu.SemaphoreType.DMA,
            pltpu.SemaphoreType.DMA,
        ],
    )(_sc_counts_body)


def _sc_counts_body(src_hbm, ones_hbm, zero_hbm, out_hbm,
                    idx0, idx1, idx2, idx3, ones_v, acc,
                    si0, si1, si2, si3):
    idx_c = (idx0, idx1, idx2, idx3)
    si = (si0, si1, si2, si3)
    cid = lax.axis_index("c")
    sid = lax.axis_index("s")
    wid = cid * NS + sid
    ebase = wid * EPT

    def _idx_issue(j, s):
        pltpu.async_copy(src_hbm.at[pl.ds(ebase + j * CH, CH)], idx_c[s], si[s])

    def _idx_wait(j, s):
        pltpu.make_async_copy(
            src_hbm.at[pl.ds(ebase + j * CH, CH)], idx_c[s], si[s]).wait()

    pltpu.sync_copy(ones_hbm, ones_v)
    pltpu.sync_copy(zero_hbm.at[pl.ds(sid * STRIPE, STRIPE)],
                    acc.at[pl.ds(sid * STRIPE, STRIPE)])
    plsc.subcore_barrier()

    for s in range(4):
        _idx_issue(s, s)
    NQ = NCHUNK // 4

    def _body(q, _):
        j0 = 4 * q
        more = q < NQ - 1
        for s in range(4):
            _idx_wait(j0 + s, s)
            pltpu.sync_copy(ones_v, acc.at[idx_c[s]], add=True)

            @pl.when(more)
            def _():
                _idx_issue(j0 + 4 + s, s)
        return 0
    lax.fori_loop(0, NQ, _body, 0)
    plsc.subcore_barrier()
    pltpu.sync_copy(acc.at[pl.ds(sid * STRIPE, STRIPE)],
                    out_hbm.at[pl.ds(cid * NP + sid * STRIPE, STRIPE)])


@functools.cache
def _get_sc_gather_scatter():
    return functools.partial(
        pl.kernel,
        out_type=jax.ShapeDtypeStruct((NC * NP, H), jnp.float32),
        mesh=_mesh(),
        scratch_types=(
            [pltpu.VMEM((CH,), jnp.int32) for _ in range(8)]
            + [pltpu.VMEM((CH, H), jnp.float32),
               pltpu.VMEM((CH, H), jnp.float32),
               pltpu.VMEM_SHARED((NP, H), jnp.float32)]
            + [pltpu.SemaphoreType.DMA for _ in range(6)]
        ),
    )(_sc_gs_body)


def _sc_gs_body(h_hbm, dst_hbm, src_hbm, zero_hbm, out_hbm,
                d0, d1, d2, d3, s0, s1, s2, s3,
                rows_a, rows_b, acc, sg_a, sg_b, si0, si1, si2, si3):
    dst_c = (d0, d1, d2, d3)
    src_c = (s0, s1, s2, s3)
    si = (si0, si1, si2, si3)
    cid = lax.axis_index("c")
    sid = lax.axis_index("s")
    wid = cid * NS + sid
    ebase = wid * EPT

    def _idx_issue(j, s):
        pltpu.async_copy(dst_hbm.at[pl.ds(ebase + j * CH, CH)], dst_c[s], si[s])
        pltpu.async_copy(src_hbm.at[pl.ds(ebase + j * CH, CH)], src_c[s], si[s])

    def _idx_wait(j, s):
        pltpu.make_async_copy(
            dst_hbm.at[pl.ds(ebase + j * CH, CH)], dst_c[s], si[s]).wait()
        pltpu.make_async_copy(
            src_hbm.at[pl.ds(ebase + j * CH, CH)], src_c[s], si[s]).wait()

    def _gather(s, rows, sg):
        pltpu.async_copy(h_hbm.at[dst_c[s]], rows, sg)

    def _scatter(s, rows, sg):
        pltpu.make_async_copy(h_hbm.at[dst_c[s]], rows, sg).wait()
        pltpu.sync_copy(rows, acc.at[src_c[s]], add=True)

    pltpu.sync_copy(zero_hbm.at[pl.ds(sid * STRIPE, STRIPE)],
                    acc.at[pl.ds(sid * STRIPE, STRIPE)])
    plsc.subcore_barrier()

    _idx_issue(0, 0)
    _idx_issue(1, 1)
    _idx_wait(0, 0)
    _gather(0, rows_a, sg_a)
    _idx_wait(1, 1)
    _gather(1, rows_b, sg_b)
    _idx_issue(2, 2)
    _idx_issue(3, 3)

    NQ = NCHUNK // 4

    def _body(q, _):
        j0 = 4 * q
        more = q < NQ - 1

        _scatter(0, rows_a, sg_a)
        _idx_wait(j0 + 2, 2)
        _gather(2, rows_a, sg_a)

        @pl.when(more)
        def _():
            _idx_issue(j0 + 4, 0)

        _scatter(1, rows_b, sg_b)
        _idx_wait(j0 + 3, 3)
        _gather(3, rows_b, sg_b)

        @pl.when(more)
        def _():
            _idx_issue(j0 + 5, 1)

        _scatter(2, rows_a, sg_a)

        @pl.when(more)
        def _():
            _idx_wait(j0 + 4, 0)
            _gather(0, rows_a, sg_a)
            _idx_issue(j0 + 6, 2)

        _scatter(3, rows_b, sg_b)

        @pl.when(more)
        def _():
            _idx_wait(j0 + 5, 1)
            _gather(1, rows_b, sg_b)
            _idx_issue(j0 + 7, 3)
        return 0
    lax.fori_loop(0, NQ, _body, 0)
    plsc.subcore_barrier()
    pltpu.sync_copy(acc.at[pl.ds(sid * STRIPE, STRIPE)],
                    out_hbm.at[pl.ds(cid * NP + sid * STRIPE, STRIPE)])



_BR = 1024


def _mlp_body(x_ref, w1_ref, b1_ref, w2_ref, b2_ref, o_ref):
    t = jnp.dot(x_ref[...], w1_ref[...], preferred_element_type=jnp.float32)
    t = jnp.maximum(t + b1_ref[...], 0.0)
    o_ref[...] = (jnp.dot(t, w2_ref[...], preferred_element_type=jnp.float32)
                  + b2_ref[...])


def _tc_mlp(xp, w1, b1, w2, b2):
    return pl.pallas_call(
        _mlp_body,
        grid=(NP // _BR,),
        in_specs=[
            pl.BlockSpec((_BR, D), lambda i: (i, 0)),
            pl.BlockSpec((D, H), lambda i: (0, 0)),
            pl.BlockSpec((1, H), lambda i: (0, 0)),
            pl.BlockSpec((H, H), lambda i: (0, 0)),
            pl.BlockSpec((1, H), lambda i: (0, 0)),
        ],
        out_specs=pl.BlockSpec((_BR, H), lambda i: (i, 0)),
        out_shape=jax.ShapeDtypeStruct((NP, H), jnp.float32),
    )(xp, w1, b1.reshape(1, H), w2, b2.reshape(1, H))


def _comm_body(h_ref, p_ref, c_ref, w_ref, b_ref, o_ref):
    cnt = c_ref[0, :, 0:1] + c_ref[1, :, 0:1]
    sums = p_ref[0] + p_ref[1]
    msg = sums / jnp.maximum(cnt, 1.0)
    t = jnp.dot(msg, w_ref[...], preferred_element_type=jnp.float32)
    o_ref[...] = h_ref[...] + jnp.maximum(t + b_ref[...], 0.0)


def _tc_comm(h, p, c, w, b):
    return pl.pallas_call(
        _comm_body,
        grid=(NP // _BR,),
        in_specs=[
            pl.BlockSpec((_BR, H), lambda i: (i, 0)),
            pl.BlockSpec((NC, _BR, H), lambda i: (0, i, 0)),
            pl.BlockSpec((NC, _BR, H), lambda i: (0, i, 0)),
            pl.BlockSpec((H, H), lambda i: (0, 0)),
            pl.BlockSpec((1, H), lambda i: (0, 0)),
        ],
        out_specs=pl.BlockSpec((_BR, H), lambda i: (i, 0)),
        out_shape=jax.ShapeDtypeStruct((NP, H), jnp.float32),
    )(h, p, c, w, b.reshape(1, H))



def kernel(x, edge_index, enc_w1, enc_b1, enc_w2, enc_b2,
           comm_w0, comm_b0, comm_w1, comm_b1,
           dec_w1, dec_b1, dec_w2, dec_b2):
    xp = jnp.zeros((NP, D), jnp.float32).at[:N].set(x)
    src = edge_index[0]
    dst = edge_index[1]
    pad = EP - E0
    pad_src = N + (jnp.arange(pad, dtype=jnp.int32) % (NP - N))
    pad_dst = jnp.arange(pad, dtype=jnp.int32) % N
    srcp = jnp.concatenate([src, pad_src])
    dstp = jnp.concatenate([dst, pad_dst])
    onesH = jnp.ones((CH, H), jnp.float32)
    zeroH = jnp.zeros((NP, H), jnp.float32)

    c = _get_sc_counts()(srcp, onesH, zeroH).reshape(NC, NP, H)
    h = _tc_mlp(xp, enc_w1, enc_b1, enc_w2, enc_b2)
    for (w, b) in ((comm_w0, comm_b0), (comm_w1, comm_b1)):
        p = _get_sc_gather_scatter()(h, dstp, srcp, zeroH).reshape(NC, NP, H)
        h = _tc_comm(h, p, c, w, b)
    out = _tc_mlp(h, dec_w1, dec_b1, dec_w2, dec_b2)
    return out[:N]

# --- scband reference (transcript-rebuilt; emitter-appended) ---
"""Pipeline reference for scband-comm-net-90280212562554 (READ-ONLY COPY).

The authoritative reference and input builder live on the scoring server;
editing this copy changes nothing except your own understanding.
"""

import jax, jax.numpy as jnp
import numpy as np

N = 10000
E = 320000
D = 128
H = 128
O = 128


def setup_inputs(seed: int = 0) -> dict:
    key = jax.random.key(seed)
    ks = jax.random.split(key, 16)
    inp = {}
    inp["x"] = jax.random.normal(ks[0], (N, D), dtype=jnp.float32)
    inp["edge_index"] = jax.random.randint(ks[1], (2, E), 0, N, dtype=jnp.int32)
    # encoder: Linear(D,H) -> ReLU -> Linear(H,H)
    inp["enc_w1"] = jax.random.normal(ks[2], (D, H), dtype=jnp.float32) * 0.02
    inp["enc_b1"] = jnp.zeros((H,), dtype=jnp.float32)
    inp["enc_w2"] = jax.random.normal(ks[3], (H, H), dtype=jnp.float32) * 0.02
    inp["enc_b2"] = jnp.zeros((H,), dtype=jnp.float32)
    # comm layers: num_rounds=2, each Linear(H,H) -> ReLU
    inp["comm_w0"] = jax.random.normal(ks[4], (H, H), dtype=jnp.float32) * 0.02
    inp["comm_b0"] = jnp.zeros((H,), dtype=jnp.float32)
    inp["comm_w1"] = jax.random.normal(ks[5], (H, H), dtype=jnp.float32) * 0.02
    inp["comm_b1"] = jnp.zeros((H,), dtype=jnp.float32)
    # decoder: Linear(H,H) -> ReLU -> Linear(H,O)
    inp["dec_w1"] = jax.random.normal(ks[6], (H, H), dtype=jnp.float32) * 0.02
    inp["dec_b1"] = jnp.zeros((H,), dtype=jnp.float32)
    inp["dec_w2"] = jax.random.normal(ks[7], (H, O), dtype=jnp.float32) * 0.02
    inp["dec_b2"] = jnp.zeros((O,), dtype=jnp.float32)
    return inp


def reference(x, edge_index, enc_w1, enc_b1, enc_w2, enc_b2,
              comm_w0, comm_b0, comm_w1, comm_b1,
              dec_w1, dec_b1, dec_w2, dec_b2):
    # encoder
    h = jax.nn.relu(x @ enc_w1 + enc_b1) @ enc_w2 + enc_b2
    src = edge_index[0]
    dst = edge_index[1]
    ones = jnp.ones((E,), dtype=jnp.float32)
    counts = jax.ops.segment_sum(ones, src, num_segments=N)
    # communication rounds: per-node mean of neighbor hidden states
    for (w, b) in ((comm_w0, comm_b0), (comm_w1, comm_b1)):
        nb = jnp.take(h, dst, axis=0)                     # gather [E, H]
        sums = jax.ops.segment_sum(nb, src, num_segments=N)  # scatter-add [N, H]
        denom = jnp.maximum(counts, 1.0)[:, None]
        messages = jnp.where(counts[:, None] > 0, sums / denom, 0.0)
        h = h + jax.nn.relu(messages @ w + b)
    # decoder
    out = jax.nn.relu(h @ dec_w1 + dec_b1) @ dec_w2 + dec_b2
    return out

if __name__ == "__main__":
    import jax
    _d = setup_inputs()
    print(jax.jit(kernel)(*tuple(_d.values())))

</pallas_src>

<mosaic_0001>
#map = affine_map<(d0, d1) -> (0, 0)>
#map1 = affine_map<(d0, d1) -> (0)>
module attributes {stable_mosaic.version = 14 : i64} {
  func.func @_sc_gs_body(%arg0: i32, %arg1: i32, %arg2: memref<10240x128xf32, #tpu.memory_space<hbm>>, %arg3: memref<327680xi32, #tpu.memory_space<hbm>>, %arg4: memref<327680xi32, #tpu.memory_space<hbm>>, %arg5: memref<10240x128xf32, #tpu.memory_space<hbm>>, %arg6: memref<20480x128xf32, #tpu.memory_space<hbm>>, %arg7: memref<128xi32, #tpu.memory_space<vmem>>, %arg8: memref<128xi32, #tpu.memory_space<vmem>>, %arg9: memref<128xi32, #tpu.memory_space<vmem>>, %arg10: memref<128xi32, #tpu.memory_space<vmem>>, %arg11: memref<128xi32, #tpu.memory_space<vmem>>, %arg12: memref<128xi32, #tpu.memory_space<vmem>>, %arg13: memref<128xi32, #tpu.memory_space<vmem>>, %arg14: memref<128xi32, #tpu.memory_space<vmem>>, %arg15: memref<128x128xf32, #tpu.memory_space<vmem>>, %arg16: memref<128x128xf32, #tpu.memory_space<vmem>>, %arg17: memref<10240x128xf32, #tpu.memory_space<vmem_shared>>, %arg18: memref<!tpu.dma_semaphore, #tpu.memory_space<semaphore_mem>>, %arg19: memref<!tpu.dma_semaphore, #tpu.memory_space<semaphore_mem>>, %arg20: memref<!tpu.dma_semaphore, #tpu.memory_space<semaphore_mem>>, %arg21: memref<!tpu.dma_semaphore, #tpu.memory_space<semaphore_mem>>, %arg22: memref<!tpu.dma_semaphore, #tpu.memory_space<semaphore_mem>>, %arg23: memref<!tpu.dma_semaphore, #tpu.memory_space<semaphore_mem>>) attributes {dimension_semantics = [#tpu.dimension_semantics<core_parallel>, #tpu.dimension_semantics<subcore_parallel>], iteration_bounds = array<i64: 2, 16>, scalar_prefetch = 0 : i64, scratch_operands = 17 : i64, tpu.core_type = #tpu.core_type<sc_vector_subcore>, window_params = [{transform_indices = #map}, {transform_indices = #map1}, {transform_indices = #map1}, {transform_indices = #map}, {transform_indices = #map}]} {
    %mul3A = arith.constant 16 : i32
    %mul3A_0 = arith.muli %arg0, %mul3A : i32
    %add3A = arith.addi %mul3A_0, %arg1 : i32
    %mul3A_1 = arith.constant 10240 : i32
    %mul3A_2 = arith.muli %add3A, %mul3A_1 : i32
    %mul3A_3 = arith.constant 640 : i32
    %mul3A_4 = arith.muli %arg1, %mul3A_3 : i32
    %mul3A_5 = arith.constant 640 : i32
    %mul3A_6 = arith.muli %arg1, %mul3A_5 : i32
    "tpu.region"() ({
      %run_scoped3A = tpu.sem_alloc : memref<!tpu.dma_semaphore, #tpu.memory_space<semaphore_mem>>
      %dma_start3A_73 = arith.constant 0 : i32
      %dma_start3A_74 = tpu.memref_slice %arg17[%mul3A_6, %dma_start3A_73] : memref<10240x128xf32, #tpu.memory_space<vmem_shared>> -> memref<640x128xf32, #tpu.memory_space<vmem_shared>>
      %dma_start3A_75 = arith.constant 0 : i32
      %dma_start3A_76 = tpu.memref_slice %arg5[%mul3A_4, %dma_start3A_75] : memref<10240x128xf32, #tpu.memory_space<hbm>> -> memref<640x128xf32, #tpu.memory_space<hbm>>
      tpu.enqueue_dma source(%dma_start3A_76 : memref<640x128xf32, #tpu.memory_space<hbm>>) target(%dma_start3A_74 : memref<640x128xf32, #tpu.memory_space<vmem_shared>>) target_semaphore(%run_scoped3A : memref<!tpu.dma_semaphore, #tpu.memory_space<semaphore_mem>>)
      %dma_wait3A_77 = arith.constant 0 : i32
      %dma_wait3A_78 = tpu.memref_slice %arg17[%mul3A_6, %dma_wait3A_77] : memref<10240x128xf32, #tpu.memory_space<vmem_shared>> -> memref<640x128xf32, #tpu.memory_space<vmem_shared>>
      %dma_wait3A_79 = arith.constant 0 : i32
      %dma_wait3A_80 = tpu.memref_slice %arg5[%mul3A_4, %dma_wait3A_79] : memref<10240x128xf32, #tpu.memory_space<hbm>> -> memref<640x128xf32, #tpu.memory_space<hbm>>
      tpu.wait_dma2 semaphore(%run_scoped3A : memref<!tpu.dma_semaphore, #tpu.memory_space<semaphore_mem>>) src(%dma_wait3A_80 : memref<640x128xf32, #tpu.memory_space<hbm>>) dst(%dma_wait3A_78 : memref<640x128xf32, #tpu.memory_space<vmem_shared>>)
      tpu.yield
    }) : () -> ()
    %barrier3A = arith.constant 0 : index
    tpu.barrier barrier_id(%barrier3A)
    %add3A_7 = arith.constant 0 : i32
    %add3A_8 = arith.addi %mul3A_2, %add3A_7 : i32
    %dma_start3A = tpu.memref_slice %arg3[%add3A_8] : memref<327680xi32, #tpu.memory_space<hbm>> -> memref<128xi32, #tpu.memory_space<hbm>>
    %dma_start3A_9 = tpu.memref_slice %arg3[%add3A_8] : memref<327680xi32, #tpu.memory_space<hbm>> -> memref<128xi32, #tpu.memory_space<hbm>>
    tpu.enqueue_dma source(%dma_start3A_9 : memref<128xi32, #tpu.memory_space<hbm>>) target(%arg7 : memref<128xi32, #tpu.memory_space<vmem>>) target_semaphore(%arg20 : memref<!tpu.dma_semaphore, #tpu.memory_space<semaphore_mem>>)
    %add3A_10 = arith.constant 0 : i32
    %add3A_11 = arith.addi %mul3A_2, %add3A_10 : i32
    %dma_start3A_12 = tpu.memref_slice %arg4[%add3A_11] : memref<327680xi32, #tpu.memory_space<hbm>> -> memref<128xi32, #tpu.memory_space<hbm>>
    %dma_start3A_13 = tpu.memref_slice %arg4[%add3A_11] : memref<327680xi32, #tpu.memory_space<hbm>> -> memref<128xi32, #tpu.memory_space<hbm>>
    tpu.enqueue_dma source(%dma_start3A_13 : memref<128xi32, #tpu.memory_space<hbm>>) target(%arg11 : memref<128xi32, #tpu.memory_space<vmem>>) target_semaphore(%arg20 : memref<!tpu.dma_semaphore, #tpu.memory_space<semaphore_mem>>)
    %add3A_14 = arith.constant 128 : i32
    %add3A_15 = arith.addi %mul3A_2, %add3A_14 : i32
    %dma_start3A_16 = tpu.memref_slice %arg3[%add3A_15] : memref<327680xi32, #tpu.memory_space<hbm>> -> memref<128xi32, #tpu.memory_space<hbm>>
    %dma_start3A_17 = tpu.memref_slice %arg3[%add3A_15] : memref<327680xi32, #tpu.memory_space<hbm>> -> memref<128xi32, #tpu.memory_space<hbm>>
    tpu.enqueue_dma source(%dma_start3A_17 : memref<128xi32, #tpu.memory_space<hbm>>) target(%arg8 : memref<128xi32, #tpu.memory_space<vmem>>) target_semaphore(%arg21 : memref<!tpu.dma_semaphore, #tpu.memory_space<semaphore_mem>>)
    %add3A_18 = arith.constant 128 : i32
    %add3A_19 = arith.addi %mul3A_2, %add3A_18 : i32
    %dma_start3A_20 = tpu.memref_slice %arg4[%add3A_19] : memref<327680xi32, #tpu.memory_space<hbm>> -> memref<128xi32, #tpu.memory_space<hbm>>
    %dma_start3A_21 = tpu.memref_slice %arg4[%add3A_19] : memref<327680xi32, #tpu.memory_space<hbm>> -> memref<128xi32, #tpu.memory_space<hbm>>
    tpu.enqueue_dma source(%dma_start3A_21 : memref<128xi32, #tpu.memory_space<hbm>>) target(%arg12 : memref<128xi32, #tpu.memory_space<vmem>>) target_semaphore(%arg21 : memref<!tpu.dma_semaphore, #tpu.memory_space<semaphore_mem>>)
    %add3A_22 = arith.constant 0 : i32
    %add3A_23 = arith.addi %mul3A_2, %add3A_22 : i32
    %dma_wait3A = tpu.memref_slice %arg3[%add3A_23] : memref<327680xi32, #tpu.memory_space<hbm>> -> memref<128xi32, #tpu.memory_space<hbm>>
    %dma_wait3A_24 = tpu.memref_slice %arg3[%add3A_23] : memref<327680xi32, #tpu.memory_space<hbm>> -> memref<128xi32, #tpu.memory_space<hbm>>
    tpu.wait_dma2 semaphore(%arg20 : memref<!tpu.dma_semaphore, #tpu.memory_space<semaphore_mem>>) src(%dma_wait3A_24 : memref<128xi32, #tpu.memory_space<hbm>>) dst(%arg7 : memref<128xi32, #tpu.memory_space<vmem>>)
    %add3A_25 = arith.constant 0 : i32
    %add3A_26 = arith.addi %mul3A_2, %add3A_25 : i32
    %dma_wait3A_27 = tpu.memref_slice %arg4[%add3A_26] : memref<327680xi32, #tpu.memory_space<hbm>> -> memref<128xi32, #tpu.memory_space<hbm>>
    %dma_wait3A_28 = tpu.memref_slice %arg4[%add3A_26] : memref<327680xi32, #tpu.memory_space<hbm>> -> memref<128xi32, #tpu.memory_space<hbm>>
    tpu.wait_dma2 semaphore(%arg20 : memref<!tpu.dma_semaphore, #tpu.memory_space<semaphore_mem>>) src(%dma_wait3A_28 : memref<128xi32, #tpu.memory_space<hbm>>) dst(%arg11 : memref<128xi32, #tpu.memory_space<vmem>>)
    %dma_start3A_29 = arith.constant 0 : i32
    %dma_start3A_30 = arith.constant 0 : i32
    %dma_start3A_31 = tpu.memref_slice %arg2[%dma_start3A_29, %dma_start3A_30] : memref<10240x128xf32, #tpu.memory_space<hbm>> -> memref<10240x128xf32, #tpu.memory_space<hbm>>
    tpu.enqueue_indirect_dma source(%dma_start3A_31 : memref<10240x128xf32, #tpu.memory_space<hbm>>) target(%arg15 : memref<128x128xf32, #tpu.memory_space<vmem>>) offsets(%arg7 : memref<128xi32, #tpu.memory_space<vmem>>) semaphore(%arg18 : memref<!tpu.dma_semaphore, #tpu.memory_space<semaphore_mem>>)
    %add3A_32 = arith.constant 128 : i32
    %add3A_33 = arith.addi %mul3A_2, %add3A_32 : i32
    %dma_wait3A_34 = tpu.memref_slice %arg3[%add3A_33] : memref<327680xi32, #tpu.memory_space<hbm>> -> memref<128xi32, #tpu.memory_space<hbm>>
    %dma_wait3A_35 = tpu.memref_slice %arg3[%add3A_33] : memref<327680xi32, #tpu.memory_space<hbm>> -> memref<128xi32, #tpu.memory_space<hbm>>
    tpu.wait_dma2 semaphore(%arg21 : memref<!tpu.dma_semaphore, #tpu.memory_space<semaphore_mem>>) src(%dma_wait3A_35 : memref<128xi32, #tpu.memory_space<hbm>>) dst(%arg8 : memref<128xi32, #tpu.memory_space<vmem>>)
    %add3A_36 = arith.constant 128 : i32
    %add3A_37 = arith.addi %mul3A_2, %add3A_36 : i32
    %dma_wait3A_38 = tpu.memref_slice %arg4[%add3A_37] : memref<327680xi32, #tpu.memory_space<hbm>> -> memref<128xi32, #tpu.memory_space<hbm>>
    %dma_wait3A_39 = tpu.memref_slice %arg4[%add3A_37] : memref<327680xi32, #tpu.memory_space<hbm>> -> memref<128xi32, #tpu.memory_space<hbm>>
    tpu.wait_dma2 semaphore(%arg21 : memref<!tpu.dma_semaphore, #tpu.memory_space<semaphore_mem>>) src(%dma_wait3A_39 : memref<128xi32, #tpu.memory_space<hbm>>) dst(%arg12 : memref<128xi32, #tpu.memory_space<vmem>>)
    %dma_start3A_40 = arith.constant 0 : i32
    %dma_start3A_41 = arith.constant 0 : i32
    %dma_start3A_42 = tpu.memref_slice %arg2[%dma_start3A_40, %dma_start3A_41] : memref<10240x128xf32, #tpu.memory_space<hbm>> -> memref<10240x128xf32, #tpu.memory_space<hbm>>
    tpu.enqueue_indirect_dma source(%dma_start3A_42 : memref<10240x128xf32, #tpu.memory_space<hbm>>) target(%arg16 : memref<128x128xf32, #tpu.memory_space<vmem>>) offsets(%arg8 : memref<128xi32, #tpu.memory_space<vmem>>) semaphore(%arg19 : memref<!tpu.dma_semaphore, #tpu.memory_space<semaphore_mem>>)
    %add3A_43 = arith.constant 256 : i32
    %add3A_44 = arith.addi %mul3A_2, %add3A_43 : i32
    %dma_start3A_45 = tpu.memref_slice %arg3[%add3A_44] : memref<327680xi32, #tpu.memory_space<hbm>> -> memref<128xi32, #tpu.memory_space<hbm>>
    %dma_start3A_46 = tpu.memref_slice %arg3[%add3A_44] : memref<327680xi32, #tpu.memory_space<hbm>> -> memref<128xi32, #tpu.memory_space<hbm>>
    tpu.enqueue_dma source(%dma_start3A_46 : memref<128xi32, #tpu.memory_space<hbm>>) target(%arg9 : memref<128xi32, #tpu.memory_space<vmem>>) target_semaphore(%arg22 : memref<!tpu.dma_semaphore, #tpu.memory_space<semaphore_mem>>)
    %add3A_47 = arith.constant 256 : i32
    %add3A_48 = arith.addi %mul3A_2, %add3A_47 : i32
    %dma_start3A_49 = tpu.memref_slice %arg4[%add3A_48] : memref<327680xi32, #tpu.memory_space<hbm>> -> memref<128xi32, #tpu.memory_space<hbm>>
    %dma_start3A_50 = tpu.memref_slice %arg4[%add3A_48] : memref<327680xi32, #tpu.memory_space<hbm>> -> memref<128xi32, #tpu.memory_space<hbm>>
    tpu.enqueue_dma source(%dma_start3A_50 : memref<128xi32, #tpu.memory_space<hbm>>) target(%arg13 : memref<128xi32, #tpu.memory_space<vmem>>) target_semaphore(%arg22 : memref<!tpu.dma_semaphore, #tpu.memory_space<semaphore_mem>>)
    %add3A_51 = arith.constant 384 : i32
    %add3A_52 = arith.addi %mul3A_2, %add3A_51 : i32
    %dma_start3A_53 = tpu.memref_slice %arg3[%add3A_52] : memref<327680xi32, #tpu.memory_space<hbm>> -> memref<128xi32, #tpu.memory_space<hbm>>
    %dma_start3A_54 = tpu.memref_slice %arg3[%add3A_52] : memref<327680xi32, #tpu.memory_space<hbm>> -> memref<128xi32, #tpu.memory_space<hbm>>
    tpu.enqueue_dma source(%dma_start3A_54 : memref<128xi32, #tpu.memory_space<hbm>>) target(%arg10 : memref<128xi32, #tpu.memory_space<vmem>>) target_semaphore(%arg23 : memref<!tpu.dma_semaphore, #tpu.memory_space<semaphore_mem>>)
    %add3A_55 = arith.constant 384 : i32
    %add3A_56 = arith.addi %mul3A_2, %add3A_55 : i32
    %dma_start3A_57 = tpu.memref_slice %arg4[%add3A_56] : memref<327680xi32, #tpu.memory_space<hbm>> -> memref<128xi32, #tpu.memory_space<hbm>>
    %dma_start3A_58 = tpu.memref_slice %arg4[%add3A_56] : memref<327680xi32, #tpu.memory_space<hbm>> -> memref<128xi32, #tpu.memory_space<hbm>>
    tpu.enqueue_dma source(%dma_start3A_58 : memref<128xi32, #tpu.memory_space<hbm>>) target(%arg14 : memref<128xi32, #tpu.memory_space<vmem>>) target_semaphore(%arg23 : memref<!tpu.dma_semaphore, #tpu.memory_space<semaphore_mem>>)
    %scan3A = arith.constant 0 : i32
    %scan3A_59 = arith.constant 0 : i32
    %scan3A_60 = arith.constant 20 : i32
    %scan3A_61 = arith.addi %scan3A_59, %scan3A_60 : i32
    %scan3A_62 = arith.constant 1 : i32
    %scan3A_63 = scf.for %scan3A_73 = %scan3A_59 to %scan3A_61 step %scan3A_62 iter_args(%scan3A_74 = %scan3A) -> (i32)  : i32 {
      %mul3A_75 = arith.constant 4 : i32
      %mul3A_76 = arith.muli %mul3A_75, %scan3A_73 : i32
      %lt3A = arith.constant 19 : i32
      %lt3A_77 = arith.cmpi slt, %scan3A_73, %lt3A : i32
      %dma_wait3A_78 = arith.constant 0 : i32
      %dma_wait3A_79 = arith.constant 0 : i32
      %dma_wait3A_80 = tpu.memref_slice %arg2[%dma_wait3A_78, %dma_wait3A_79] : memref<10240x128xf32, #tpu.memory_space<hbm>> -> memref<10240x128xf32, #tpu.memory_space<hbm>>
      tpu.wait_indirect_dma semaphore(%arg18 : memref<!tpu.dma_semaphore, #tpu.memory_space<semaphore_mem>>) src(%dma_wait3A_80 : memref<10240x128xf32, #tpu.memory_space<hbm>>) dst(%arg15 : memref<128x128xf32, #tpu.memory_space<vmem>>)
      "tpu.region"() ({
        %run_scoped3A = tpu.sem_alloc : memref<!tpu.dma_semaphore, #tpu.memory_space<semaphore_mem>>
        %dma_start3A_131 = arith.constant 0 : i32
        %dma_start3A_132 = arith.constant 0 : i32
        %dma_start3A_133 = tpu.memref_slice %arg17[%dma_start3A_131, %dma_start3A_132] : memref<10240x128xf32, #tpu.memory_space<vmem_shared>> -> memref<10240x128xf32, #tpu.memory_space<vmem_shared>>
        tpu.enqueue_indirect_dma source(%arg15 : memref<128x128xf32, #tpu.memory_space<vmem>>) target(%dma_start3A_133 : memref<10240x128xf32, #tpu.memory_space<vmem_shared>>) offsets(%arg11 : memref<128xi32, #tpu.memory_space<vmem>>) semaphore(%run_scoped3A : memref<!tpu.dma_semaphore, #tpu.memory_space<semaphore_mem>>) {add = true}
        %dma_wait3A_134 = arith.constant 0 : i32
        %dma_wait3A_135 = arith.constant 0 : i32
        %dma_wait3A_136 = tpu.memref_slice %arg17[%dma_wait3A_134, %dma_wait3A_135] : memref<10240x128xf32, #tpu.memory_space<vmem_shared>> -> memref<10240x128xf32, #tpu.memory_space<vmem_shared>>
        tpu.wait_indirect_dma semaphore(%run_scoped3A : memref<!tpu.dma_semaphore, #tpu.memory_space<semaphore_mem>>) src(%arg15 : memref<128x128xf32, #tpu.memory_space<vmem>>) dst(%dma_wait3A_136 : memref<10240x128xf32, #tpu.memory_space<vmem_shared>>)
        tpu.yield
      }) : () -> ()
      %add3A_81 = arith.constant 2 : i32
      %add3A_82 = arith.addi %mul3A_76, %add3A_81 : i32
      %mul3A_83 = arith.constant 128 : i32
      %mul3A_84 = arith.muli %add3A_82, %mul3A_83 : i32
      %add3A_85 = arith.addi %mul3A_2, %mul3A_84 : i32
      %dma_wait3A_86 = tpu.memref_slice %arg3[%add3A_85] : memref<327680xi32, #tpu.memory_space<hbm>> -> memref<128xi32, #tpu.memory_space<hbm>>
      %dma_wait3A_87 = tpu.memref_slice %arg3[%add3A_85] : memref<327680xi32, #tpu.memory_space<hbm>> -> memref<128xi32, #tpu.memory_space<hbm>>
      tpu.wait_dma2 semaphore(%arg22 : memref<!tpu.dma_semaphore, #tpu.memory_space<semaphore_mem>>) src(%dma_wait3A_87 : memref<128xi32, #tpu.memory_space<hbm>>) dst(%arg9 : memref<128xi32, #tpu.memory_space<vmem>>)
      %mul3A_88 = arith.constant 128 : i32
      %mul3A_89 = arith.muli %add3A_82, %mul3A_88 : i32
      %add3A_90 = arith.addi %mul3A_2, %mul3A_89 : i32
      %dma_wait3A_91 = tpu.memref_slice %arg4[%add3A_90] : memref<327680xi32, #tpu.memory_space<hbm>> -> memref<128xi32, #tpu.memory_space<hbm>>
      %dma_wait3A_92 = tpu.memref_slice %arg4[%add3A_90] : memref<327680xi32, #tpu.memory_space<hbm>> -> memref<128xi32, #tpu.memory_space<hbm>>
      tpu.wait_dma2 semaphore(%arg22 : memref<!tpu.dma_semaphore, #tpu.memory_space<semaphore_mem>>) src(%dma_wait3A_92 : memref<128xi32, #tpu.memory_space<hbm>>) dst(%arg13 : memref<128xi32, #tpu.memory_space<vmem>>)
      %dma_start3A_93 = arith.constant 0 : i32
      %dma_start3A_94 = arith.constant 0 : i32
      %dma_start3A_95 = tpu.memref_slice %arg2[%dma_start3A_93, %dma_start3A_94] : memref<10240x128xf32, #tpu.memory_space<hbm>> -> memref<10240x128xf32, #tpu.memory_space<hbm>>
      tpu.enqueue_indirect_dma source(%dma_start3A_95 : memref<10240x128xf32, #tpu.memory_space<hbm>>) target(%arg15 : memref<128x128xf32, #tpu.memory_space<vmem>>) offsets(%arg9 : memref<128xi32, #tpu.memory_space<vmem>>) semaphore(%arg18 : memref<!tpu.dma_semaphore, #tpu.memory_space<semaphore_mem>>)
      %convert_element_type3A = arith.extui %lt3A_77 : i1 to i32
      %cond3A = arith.constant 0 : i32
      %cond3A_96 = arith.cmpi ne, %convert_element_type3A, %cond3A : i32
      scf.if %cond3A_96 {
        %add3A_131 = arith.constant 4 : i32
        %add3A_132 = arith.addi %mul3A_76, %add3A_131 : i32
        %mul3A_133 = arith.constant 128 : i32
        %mul3A_134 = arith.muli %add3A_132, %mul3A_133 : i32
        %add3A_135 = arith.addi %mul3A_2, %mul3A_134 : i32
        %dma_start3A_136 = tpu.memref_slice %arg3[%add3A_135] : memref<327680xi32, #tpu.memory_space<hbm>> -> memref<128xi32, #tpu.memory_space<hbm>>
        %dma_start3A_137 = tpu.memref_slice %arg3[%add3A_135] : memref<327680xi32, #tpu.memory_space<hbm>> -> memref<128xi32, #tpu.memory_space<hbm>>
        tpu.enqueue_dma source(%dma_start3A_137 : memref<128xi32, #tpu.memory_space<hbm>>) target(%arg7 : memref<128xi32, #tpu.memory_space<vmem>>) target_semaphore(%arg20 : memref<!tpu.dma_semaphore, #tpu.memory_space<semaphore_mem>>)
        %mul3A_138 = arith.constant 128 : i32
        %mul3A_139 = arith.muli %add3A_132, %mul3A_138 : i32
        %add3A_140 = arith.addi %mul3A_2, %mul3A_139 : i32
        %dma_start3A_141 = tpu.memref_slice %arg4[%add3A_140] : memref<327680xi32, #tpu.memory_space<hbm>> -> memref<128xi32, #tpu.memory_space<hbm>>
        %dma_start3A_142 = tpu.memref_slice %arg4[%add3A_140] : memref<327680xi32, #tpu.memory_space<hbm>> -> memref<128xi32, #tpu.memory_space<hbm>>
        tpu.enqueue_dma source(%dma_start3A_142 : memref<128xi32, #tpu.memory_space<hbm>>) target(%arg11 : memref<128xi32, #tpu.memory_space<vmem>>) target_semaphore(%arg20 : memref<!tpu.dma_semaphore, #tpu.memory_space<semaphore_mem>>)
      } else {
      }
      %dma_wait3A_97 = arith.constant 0 : i32
      %dma_wait3A_98 = arith.constant 0 : i32
      %dma_wait3A_99 = tpu.memref_slice %arg2[%dma_wait3A_97, %dma_wait3A_98] : memref<10240x128xf32, #tpu.memory_space<hbm>> -> memref<10240x128xf32, #tpu.memory_space<hbm>>
      tpu.wait_indirect_dma semaphore(%arg19 : memref<!tpu.dma_semaphore, #tpu.memory_space<semaphore_mem>>) src(%dma_wait3A_99 : memref<10240x128xf32, #tpu.memory_space<hbm>>) dst(%arg16 : memref<128x128xf32, #tpu.memory_space<vmem>>)
      "tpu.region"() ({
        %run_scoped3A = tpu.sem_alloc : memref<!tpu.dma_semaphore, #tpu.memory_space<semaphore_mem>>
        %dma_start3A_131 = arith.constant 0 : i32
        %dma_start3A_132 = arith.constant 0 : i32
        %dma_start3A_133 = tpu.memref_slice %arg17[%dma_start3A_131, %dma_start3A_132] : memref<10240x128xf32, #tpu.memory_space<vmem_shared>> -> memref<10240x128xf32, #tpu.memory_space<vmem_shared>>
        tpu.enqueue_indirect_dma source(%arg16 : memref<128x128xf32, #tpu.memory_space<vmem>>) target(%dma_start3A_133 : memref<10240x128xf32, #tpu.memory_space<vmem_shared>>) offsets(%arg12 : memref<128xi32, #tpu.memory_space<vmem>>) semaphore(%run_scoped3A : memref<!tpu.dma_semaphore, #tpu.memory_space<semaphore_mem>>) {add = true}
        %dma_wait3A_134 = arith.constant 0 : i32
        %dma_wait3A_135 = arith.constant 0 : i32
        %dma_wait3A_136 = tpu.memref_slice %arg17[%dma_wait3A_134, %dma_wait3A_135] : memref<10240x128xf32, #tpu.memory_space<vmem_shared>> -> memref<10240x128xf32, #tpu.memory_space<vmem_shared>>
        tpu.wait_indirect_dma semaphore(%run_scoped3A : memref<!tpu.dma_semaphore, #tpu.memory_space<semaphore_mem>>) src(%arg16 : memref<128x128xf32, #tpu.memory_space<vmem>>) dst(%dma_wait3A_136 : memref<10240x128xf32, #tpu.memory_space<vmem_shared>>)
        tpu.yield
      }) : () -> ()
      %add3A_100 = arith.constant 3 : i32
      %add3A_101 = arith.addi %mul3A_76, %add3A_100 : i32
      %mul3A_102 = arith.constant 128 : i32
      %mul3A_103 = arith.muli %add3A_101, %mul3A_102 : i32
      %add3A_104 = arith.addi %mul3A_2, %mul3A_103 : i32
      %dma_wait3A_105 = tpu.memref_slice %arg3[%add3A_104] : memref<327680xi32, #tpu.memory_space<hbm>> -> memref<128xi32, #tpu.memory_space<hbm>>
      %dma_wait3A_106 = tpu.memref_slice %arg3[%add3A_104] : memref<327680xi32, #tpu.memory_space<hbm>> -> memref<128xi32, #tpu.memory_space<hbm>>
      tpu.wait_dma2 semaphore(%arg23 : memref<!tpu.dma_semaphore, #tpu.memory_space<semaphore_mem>>) src(%dma_wait3A_106 : memref<128xi32, #tpu.memory_space<hbm>>) dst(%arg10 : memref<128xi32, #tpu.memory_space<vmem>>)
      %mul3A_107 = arith.constant 128 : i32
      %mul3A_108 = arith.muli %add3A_101, %mul3A_107 : i32
      %add3A_109 = arith.addi %mul3A_2, %mul3A_108 : i32
      %dma_wait3A_110 = tpu.memref_slice %arg4[%add3A_109] : memref<327680xi32, #tpu.memory_space<hbm>> -> memref<128xi32, #tpu.memory_space<hbm>>
      %dma_wait3A_111 = tpu.memref_slice %arg4[%add3A_109] : memref<327680xi32, #tpu.memory_space<hbm>> -> memref<128xi32, #tpu.memory_space<hbm>>
      tpu.wait_dma2 semaphore(%arg23 : memref<!tpu.dma_semaphore, #tpu.memory_space<semaphore_mem>>) src(%dma_wait3A_111 : memref<128xi32, #tpu.memory_space<hbm>>) dst(%arg14 : memref<128xi32, #tpu.memory_space<vmem>>)
      %dma_start3A_112 = arith.constant 0 : i32
      %dma_start3A_113 = arith.constant 0 : i32
      %dma_start3A_114 = tpu.memref_slice %arg2[%dma_start3A_112, %dma_start3A_113] : memref<10240x128xf32, #tpu.memory_space<hbm>> -> memref<10240x128xf32, #tpu.memory_space<hbm>>
      tpu.enqueue_indirect_dma source(%dma_start3A_114 : memref<10240x128xf32, #tpu.memory_space<hbm>>) target(%arg16 : memref<128x128xf32, #tpu.memory_space<vmem>>) offsets(%arg10 : memref<128xi32, #tpu.memory_space<vmem>>) semaphore(%arg19 : memref<!tpu.dma_semaphore, #tpu.memory_space<semaphore_mem>>)
      %convert_element_type3A_115 = arith.extui %lt3A_77 : i1 to i32
      %cond3A_116 = arith.constant 0 : i32
      %cond3A_117 = arith.cmpi ne, %convert_element_type3A_115, %cond3A_116 : i32
      scf.if %cond3A_117 {
        %add3A_131 = arith.constant 5 : i32
        %add3A_132 = arith.addi %mul3A_76, %add3A_131 : i32
        %mul3A_133 = arith.constant 128 : i32
        %mul3A_134 = arith.muli %add3A_132, %mul3A_133 : i32
        %add3A_135 = arith.addi %mul3A_2, %mul3A_134 : i32
        %dma_start3A_136 = tpu.memref_slice %arg3[%add3A_135] : memref<327680xi32, #tpu.memory_space<hbm>> -> memref<128xi32, #tpu.memory_space<hbm>>
        %dma_start3A_137 = tpu.memref_slice %arg3[%add3A_135] : memref<327680xi32, #tpu.memory_space<hbm>> -> memref<128xi32, #tpu.memory_space<hbm>>
        tpu.enqueue_dma source(%dma_start3A_137 : memref<128xi32, #tpu.memory_space<hbm>>) target(%arg8 : memref<128xi32, #tpu.memory_space<vmem>>) target_semaphore(%arg21 : memref<!tpu.dma_semaphore, #tpu.memory_space<semaphore_mem>>)
        %mul3A_138 = arith.constant 128 : i32
        %mul3A_139 = arith.muli %add3A_132, %mul3A_138 : i32
        %add3A_140 = arith.addi %mul3A_2, %mul3A_139 : i32
        %dma_start3A_141 = tpu.memref_slice %arg4[%add3A_140] : memref<327680xi32, #tpu.memory_space<hbm>> -> memref<128xi32, #tpu.memory_space<hbm>>
        %dma_start3A_142 = tpu.memref_slice %arg4[%add3A_140] : memref<327680xi32, #tpu.memory_space<hbm>> -> memref<128xi32, #tpu.memory_space<hbm>>
        tpu.enqueue_dma source(%dma_start3A_142 : memref<128xi32, #tpu.memory_space<hbm>>) target(%arg12 : memref<128xi32, #tpu.memory_space<vmem>>) target_semaphore(%arg21 : memref<!tpu.dma_semaphore, #tpu.memory_space<semaphore_mem>>)
      } else {
      }
      %dma_wait3A_118 = arith.constant 0 : i32
      %dma_wait3A_119 = arith.constant 0 : i32
      %dma_wait3A_120 = tpu.memref_slice %arg2[%dma_wait3A_118, %dma_wait3A_119] : memref<10240x128xf32, #tpu.memory_space<hbm>> -> memref<10240x128xf32, #tpu.memory_space<hbm>>
      tpu.wait_indirect_dma semaphore(%arg18 : memref<!tpu.dma_semaphore, #tpu.memory_space<semaphore_mem>>) src(%dma_wait3A_120 : memref<10240x128xf32, #tpu.memory_space<hbm>>) dst(%arg15 : memref<128x128xf32, #tpu.memory_space<vmem>>)
      "tpu.region"() ({
        %run_scoped3A = tpu.sem_alloc : memref<!tpu.dma_semaphore, #tpu.memory_space<semaphore_mem>>
        %dma_start3A_131 = arith.constant 0 : i32
        %dma_start3A_132 = arith.constant 0 : i32
        %dma_start3A_133 = tpu.memref_slice %arg17[%dma_start3A_131, %dma_start3A_132] : memref<10240x128xf32, #tpu.memory_space<vmem_shared>> -> memref<10240x128xf32, #tpu.memory_space<vmem_shared>>
        tpu.enqueue_indirect_dma source(%arg15 : memref<128x128xf32, #tpu.memory_space<vmem>>) target(%dma_start3A_133 : memref<10240x128xf32, #tpu.memory_space<vmem_shared>>) offsets(%arg13 : memref<128xi32, #tpu.memory_space<vmem>>) semaphore(%run_scoped3A : memref<!tpu.dma_semaphore, #tpu.memory_space<semaphore_mem>>) {add = true}
        %dma_wait3A_134 = arith.constant 0 : i32
        %dma_wait3A_135 = arith.constant 0 : i32
        %dma_wait3A_136 = tpu.memref_slice %arg17[%dma_wait3A_134, %dma_wait3A_135] : memref<10240x128xf32, #tpu.memory_space<vmem_shared>> -> memref<10240x128xf32, #tpu.memory_space<vmem_shared>>
        tpu.wait_indirect_dma semaphore(%run_scoped3A : memref<!tpu.dma_semaphore, #tpu.memory_space<semaphore_mem>>) src(%arg15 : memref<128x128xf32, #tpu.memory_space<vmem>>) dst(%dma_wait3A_136 : memref<10240x128xf32, #tpu.memory_space<vmem_shared>>)
        tpu.yield
      }) : () -> ()
      %convert_element_type3A_121 = arith.extui %lt3A_77 : i1 to i32
      %cond3A_122 = arith.constant 0 : i32
      %cond3A_123 = arith.cmpi ne, %convert_element_type3A_121, %cond3A_122 : i32
      scf.if %cond3A_123 {
        %add3A_131 = arith.constant 4 : i32
        %add3A_132 = arith.addi %mul3A_76, %add3A_131 : i32
        %mul3A_133 = arith.constant 128 : i32
        %mul3A_134 = arith.muli %add3A_132, %mul3A_133 : i32
        %add3A_135 = arith.addi %mul3A_2, %mul3A_134 : i32
        %dma_wait3A_136 = tpu.memref_slice %arg3[%add3A_135] : memref<327680xi32, #tpu.memory_space<hbm>> -> memref<128xi32, #tpu.memory_space<hbm>>
        %dma_wait3A_137 = tpu.memref_slice %arg3[%add3A_135] : memref<327680xi32, #tpu.memory_space<hbm>> -> memref<128xi32, #tpu.memory_space<hbm>>
        tpu.wait_dma2 semaphore(%arg20 : memref<!tpu.dma_semaphore, #tpu.memory_space<semaphore_mem>>) src(%dma_wait3A_137 : memref<128xi32, #tpu.memory_space<hbm>>) dst(%arg7 : memref<128xi32, #tpu.memory_space<vmem>>)
        %mul3A_138 = arith.constant 128 : i32
        %mul3A_139 = arith.muli %add3A_132, %mul3A_138 : i32
        %add3A_140 = arith.addi %mul3A_2, %mul3A_139 : i32
        %dma_wait3A_141 = tpu.memref_slice %arg4[%add3A_140] : memref<327680xi32, #tpu.memory_space<hbm>> -> memref<128xi32, #tpu.memory_space<hbm>>
        %dma_wait3A_142 = tpu.memref_slice %arg4[%add3A_140] : memref<327680xi32, #tpu.memory_space<hbm>> -> memref<128xi32, #tpu.memory_space<hbm>>
        tpu.wait_dma2 semaphore(%arg20 : memref<!tpu.dma_semaphore, #tpu.memory_space<semaphore_mem>>) src(%dma_wait3A_142 : memref<128xi32, #tpu.memory_space<hbm>>) dst(%arg11 : memref<128xi32, #tpu.memory_space<vmem>>)
        %dma_start3A_143 = arith.constant 0 : i32
        %dma_start3A_144 = arith.constant 0 : i32
        %dma_start3A_145 = tpu.memref_slice %arg2[%dma_start3A_143, %dma_start3A_144] : memref<10240x128xf32, #tpu.memory_space<hbm>> -> memref<10240x128xf32, #tpu.memory_space<hbm>>
        tpu.enqueue_indirect_dma source(%dma_start3A_145 : memref<10240x128xf32, #tpu.memory_space<hbm>>) target(%arg15 : memref<128x128xf32, #tpu.memory_space<vmem>>) offsets(%arg7 : memref<128xi32, #tpu.memory_space<vmem>>) semaphore(%arg18 : memref<!tpu.dma_semaphore, #tpu.memory_space<semaphore_mem>>)
        %add3A_146 = arith.constant 6 : i32
        %add3A_147 = arith.addi %mul3A_76, %add3A_146 : i32
        %mul3A_148 = arith.constant 128 : i32
        %mul3A_149 = arith.muli %add3A_147, %mul3A_148 : i32
        %add3A_150 = arith.addi %mul3A_2, %mul3A_149 : i32
        %dma_start3A_151 = tpu.memref_slice %arg3[%add3A_150] : memref<327680xi32, #tpu.memory_space<hbm>> -> memref<128xi32, #tpu.memory_space<hbm>>
        %dma_start3A_152 = tpu.memref_slice %arg3[%add3A_150] : memref<327680xi32, #tpu.memory_space<hbm>> -> memref<128xi32, #tpu.memory_space<hbm>>
        tpu.enqueue_dma source(%dma_start3A_152 : memref<128xi32, #tpu.memory_space<hbm>>) target(%arg9 : memref<128xi32, #tpu.memory_space<vmem>>) target_semaphore(%arg22 : memref<!tpu.dma_semaphore, #tpu.memory_space<semaphore_mem>>)
        %mul3A_153 = arith.constant 128 : i32
        %mul3A_154 = arith.muli %add3A_147, %mul3A_153 : i32
        %add3A_155 = arith.addi %mul3A_2, %mul3A_154 : i32
        %dma_start3A_156 = tpu.memref_slice %arg4[%add3A_155] : memref<327680xi32, #tpu.memory_space<hbm>> -> memref<128xi32, #tpu.memory_space<hbm>>
        %dma_start3A_157 = tpu.memref_slice %arg4[%add3A_155] : memref<327680xi32, #tpu.memory_space<hbm>> -> memref<128xi32, #tpu.memory_space<hbm>>
        tpu.enqueue_dma source(%dma_start3A_157 : memref<128xi32, #tpu.memory_space<hbm>>) target(%arg13 : memref<128xi32, #tpu.memory_space<vmem>>) target_semaphore(%arg22 : memref<!tpu.dma_semaphore, #tpu.memory_space<semaphore_mem>>)
      } else {
      }
      %dma_wait3A_124 = arith.constant 0 : i32
      %dma_wait3A_125 = arith.constant 0 : i32
      %dma_wait3A_126 = tpu.memref_slice %arg2[%dma_wait3A_124, %dma_wait3A_125] : memref<10240x128xf32, #tpu.memory_space<hbm>> -> memref<10240x128xf32, #tpu.memory_space<hbm>>
      tpu.wait_indirect_dma semaphore(%arg19 : memref<!tpu.dma_semaphore, #tpu.memory_space<semaphore_mem>>) src(%dma_wait3A_126 : memref<10240x128xf32, #tpu.memory_space<hbm>>) dst(%arg16 : memref<128x128xf32, #tpu.memory_space<vmem>>)
      "tpu.region"() ({
        %run_scoped3A = tpu.sem_alloc : memref<!tpu.dma_semaphore, #tpu.memory_space<semaphore_mem>>
        %dma_start3A_131 = arith.constant 0 : i32
        %dma_start3A_132 = arith.constant 0 : i32
        %dma_start3A_133 = tpu.memref_slice %arg17[%dma_start3A_131, %dma_start3A_132] : memref<10240x128xf32, #tpu.memory_space<vmem_shared>> -> memref<10240x128xf32, #tpu.memory_space<vmem_shared>>
        tpu.enqueue_indirect_dma source(%arg16 : memref<128x128xf32, #tpu.memory_space<vmem>>) target(%dma_start3A_133 : memref<10240x128xf32, #tpu.memory_space<vmem_shared>>) offsets(%arg14 : memref<128xi32, #tpu.memory_space<vmem>>) semaphore(%run_scoped3A : memref<!tpu.dma_semaphore, #tpu.memory_space<semaphore_mem>>) {add = true}
        %dma_wait3A_134 = arith.constant 0 : i32
        %dma_wait3A_135 = arith.constant 0 : i32
        %dma_wait3A_136 = tpu.memref_slice %arg17[%dma_wait3A_134, %dma_wait3A_135] : memref<10240x128xf32, #tpu.memory_space<vmem_shared>> -> memref<10240x128xf32, #tpu.memory_space<vmem_shared>>
        tpu.wait_indirect_dma semaphore(%run_scoped3A : memref<!tpu.dma_semaphore, #tpu.memory_space<semaphore_mem>>) src(%arg16 : memref<128x128xf32, #tpu.memory_space<vmem>>) dst(%dma_wait3A_136 : memref<10240x128xf32, #tpu.memory_space<vmem_shared>>)
        tpu.yield
      }) : () -> ()
      %convert_element_type3A_127 = arith.extui %lt3A_77 : i1 to i32
      %cond3A_128 = arith.constant 0 : i32
      %cond3A_129 = arith.cmpi ne, %convert_element_type3A_127, %cond3A_128 : i32
      scf.if %cond3A_129 {
        %add3A_131 = arith.constant 5 : i32
        %add3A_132 = arith.addi %mul3A_76, %add3A_131 : i32
        %mul3A_133 = arith.constant 128 : i32
        %mul3A_134 = arith.muli %add3A_132, %mul3A_133 : i32
        %add3A_135 = arith.addi %mul3A_2, %mul3A_134 : i32
        %dma_wait3A_136 = tpu.memref_slice %arg3[%add3A_135] : memref<327680xi32, #tpu.memory_space<hbm>> -> memref<128xi32, #tpu.memory_space<hbm>>
        %dma_wait3A_137 = tpu.memref_slice %arg3[%add3A_135] : memref<327680xi32, #tpu.memory_space<hbm>> -> memref<128xi32, #tpu.memory_space<hbm>>
        tpu.wait_dma2 semaphore(%arg21 : memref<!tpu.dma_semaphore, #tpu.memory_space<semaphore_mem>>) src(%dma_wait3A_137 : memref<128xi32, #tpu.memory_space<hbm>>) dst(%arg8 : memref<128xi32, #tpu.memory_space<vmem>>)
        %mul3A_138 = arith.constant 128 : i32
        %mul3A_139 = arith.muli %add3A_132, %mul3A_138 : i32
        %add3A_140 = arith.addi %mul3A_2, %mul3A_139 : i32
        %dma_wait3A_141 = tpu.memref_slice %arg4[%add3A_140] : memref<327680xi32, #tpu.memory_space<hbm>> -> memref<128xi32, #tpu.memory_space<hbm>>
        %dma_wait3A_142 = tpu.memref_slice %arg4[%add3A_140] : memref<327680xi32, #tpu.memory_space<hbm>> -> memref<128xi32, #tpu.memory_space<hbm>>
        tpu.wait_dma2 semaphore(%arg21 : memref<!tpu.dma_semaphore, #tpu.memory_space<semaphore_mem>>) src(%dma_wait3A_142 : memref<128xi32, #tpu.memory_space<hbm>>) dst(%arg12 : memref<128xi32, #tpu.memory_space<vmem>>)
        %dma_start3A_143 = arith.constant 0 : i32
        %dma_start3A_144 = arith.constant 0 : i32
        %dma_start3A_145 = tpu.memref_slice %arg2[%dma_start3A_143, %dma_start3A_144] : memref<10240x128xf32, #tpu.memory_space<hbm>> -> memref<10240x128xf32, #tpu.memory_space<hbm>>
        tpu.enqueue_indirect_dma source(%dma_start3A_145 : memref<10240x128xf32, #tpu.memory_space<hbm>>) target(%arg16 : memref<128x128xf32, #tpu.memory_space<vmem>>) offsets(%arg8 : memref<128xi32, #tpu.memory_space<vmem>>) semaphore(%arg19 : memref<!tpu.dma_semaphore, #tpu.memory_space<semaphore_mem>>)
        %add3A_146 = arith.constant 7 : i32
        %add3A_147 = arith.addi %mul3A_76, %add3A_146 : i32
        %mul3A_148 = arith.constant 128 : i32
        %mul3A_149 = arith.muli %add3A_147, %mul3A_148 : i32
        %add3A_150 = arith.addi %mul3A_2, %mul3A_149 : i32
        %dma_start3A_151 = tpu.memref_slice %arg3[%add3A_150] : memref<327680xi32, #tpu.memory_space<hbm>> -> memref<128xi32, #tpu.memory_space<hbm>>
        %dma_start3A_152 = tpu.memref_slice %arg3[%add3A_150] : memref<327680xi32, #tpu.memory_space<hbm>> -> memref<128xi32, #tpu.memory_space<hbm>>
        tpu.enqueue_dma source(%dma_start3A_152 : memref<128xi32, #tpu.memory_space<hbm>>) target(%arg10 : memref<128xi32, #tpu.memory_space<vmem>>) target_semaphore(%arg23 : memref<!tpu.dma_semaphore, #tpu.memory_space<semaphore_mem>>)
        %mul3A_153 = arith.constant 128 : i32
        %mul3A_154 = arith.muli %add3A_147, %mul3A_153 : i32
        %add3A_155 = arith.addi %mul3A_2, %mul3A_154 : i32
        %dma_start3A_156 = tpu.memref_slice %arg4[%add3A_155] : memref<327680xi32, #tpu.memory_space<hbm>> -> memref<128xi32, #tpu.memory_space<hbm>>
        %dma_start3A_157 = tpu.memref_slice %arg4[%add3A_155] : memref<327680xi32, #tpu.memory_space<hbm>> -> memref<128xi32, #tpu.memory_space<hbm>>
        tpu.enqueue_dma source(%dma_start3A_157 : memref<128xi32, #tpu.memory_space<hbm>>) target(%arg14 : memref<128xi32, #tpu.memory_space<vmem>>) target_semaphore(%arg23 : memref<!tpu.dma_semaphore, #tpu.memory_space<semaphore_mem>>)
      } else {
      }
      %scan3A_130 = arith.constant 0 : i32
      scf.yield %scan3A_130 : i32
    }
    %scan3A_64 = arith.constant 20 : i32
    %barrier3A_65 = arith.constant 0 : index
    tpu.barrier barrier_id(%barrier3A_65)
    %mul3A_66 = arith.constant 640 : i32
    %mul3A_67 = arith.muli %arg1, %mul3A_66 : i32
    %mul3A_68 = arith.constant 10240 : i32
    %mul3A_69 = arith.muli %arg0, %mul3A_68 : i32
    %mul3A_70 = arith.constant 640 : i32
    %mul3A_71 = arith.muli %arg1, %mul3A_70 : i32
    %add3A_72 = arith.addi %mul3A_69, %mul3A_71 : i32
    "tpu.region"() ({
      %run_scoped3A = tpu.sem_alloc : memref<!tpu.dma_semaphore, #tpu.memory_space<semaphore_mem>>
      %dma_start3A_73 = arith.constant 0 : i32
      %dma_start3A_74 = tpu.memref_slice %arg6[%add3A_72, %dma_start3A_73] : memref<20480x128xf32, #tpu.memory_space<hbm>> -> memref<640x128xf32, #tpu.memory_space<hbm>>
      %dma_start3A_75 = arith.constant 0 : i32
      %dma_start3A_76 = tpu.memref_slice %arg17[%mul3A_67, %dma_start3A_75] : memref<10240x128xf32, #tpu.memory_space<vmem_shared>> -> memref<640x128xf32, #tpu.memory_space<vmem_shared>>
      tpu.enqueue_dma source(%dma_start3A_76 : memref<640x128xf32, #tpu.memory_space<vmem_shared>>) target(%dma_start3A_74 : memref<640x128xf32, #tpu.memory_space<hbm>>) target_semaphore(%run_scoped3A : memref<!tpu.dma_semaphore, #tpu.memory_space<semaphore_mem>>)
      %dma_wait3A_77 = arith.constant 0 : i32
      %dma_wait3A_78 = tpu.memref_slice %arg6[%add3A_72, %dma_wait3A_77] : memref<20480x128xf32, #tpu.memory_space<hbm>> -> memref<640x128xf32, #tpu.memory_space<hbm>>
      %dma_wait3A_79 = arith.constant 0 : i32
      %dma_wait3A_80 = tpu.memref_slice %arg17[%mul3A_67, %dma_wait3A_79] : memref<10240x128xf32, #tpu.memory_space<vmem_shared>> -> memref<640x128xf32, #tpu.memory_space<vmem_shared>>
      tpu.wait_dma2 semaphore(%run_scoped3A : memref<!tpu.dma_semaphore, #tpu.memory_space<semaphore_mem>>) src(%dma_wait3A_80 : memref<640x128xf32, #tpu.memory_space<vmem_shared>>) dst(%dma_wait3A_78 : memref<640x128xf32, #tpu.memory_space<hbm>>)
      tpu.yield
    }) : () -> ()
    return
  }
}

#map = affine_map<(d0, d1) -> (0, 0)>
#map1 = affine_map<(d0, d1) -> (0)>
module attributes {stable_mosaic.version = 14 : i64} {
  func.func @_sc_gs_body(%arg0: i32, %arg1: i32, %arg2: memref<10240x128xf32, #tpu.memory_space<hbm>>, %arg3: memref<327680xi32, #tpu.memory_space<hbm>>, %arg4: memref<327680xi32, #tpu.memory_space<hbm>>, %arg5: memref<10240x128xf32, #tpu.memory_space<hbm>>, %arg6: memref<20480x128xf32, #tpu.memory_space<hbm>>, %arg7: memref<128xi32, #tpu.memory_space<vmem>>, %arg8: memref<128xi32, #tpu.memory_space<vmem>>, %arg9: memref<128xi32, #tpu.memory_space<vmem>>, %arg10: memref<128xi32, #tpu.memory_space<vmem>>, %arg11: memref<128xi32, #tpu.memory_space<vmem>>, %arg12: memref<128xi32, #tpu.memory_space<vmem>>, %arg13: memref<128xi32, #tpu.memory_space<vmem>>, %arg14: memref<128xi32, #tpu.memory_space<vmem>>, %arg15: memref<128x128xf32, #tpu.memory_space<vmem>>, %arg16: memref<128x128xf32, #tpu.memory_space<vmem>>, %arg17: memref<10240x128xf32, #tpu.memory_space<vmem_shared>>, %arg18: memref<!tpu.dma_semaphore, #tpu.memory_space<semaphore_mem>>, %arg19: memref<!tpu.dma_semaphore, #tpu.memory_space<semaphore_mem>>, %arg20: memref<!tpu.dma_semaphore, #tpu.memory_space<semaphore_mem>>, %arg21: memref<!tpu.dma_semaphore, #tpu.memory_space<semaphore_mem>>, %arg22: memref<!tpu.dma_semaphore, #tpu.memory_space<semaphore_mem>>, %arg23: memref<!tpu.dma_semaphore, #tpu.memory_space<semaphore_mem>>) attributes {dimension_semantics = [#tpu.dimension_semantics<core_parallel>, #tpu.dimension_semantics<subcore_parallel>], iteration_bounds = array<i64: 2, 16>, scalar_prefetch = 0 : i64, scratch_operands = 17 : i64, tpu.core_type = #tpu.core_type<sc_vector_subcore>, window_params = [{transform_indices = #map}, {transform_indices = #map1}, {transform_indices = #map1}, {transform_indices = #map}, {transform_indices = #map}]} {
    %mul3A = arith.constant 16 : i32
    %mul3A_0 = arith.muli %arg0, %mul3A : i32
    %add3A = arith.addi %mul3A_0, %arg1 : i32
    %mul3A_1 = arith.constant 10240 : i32
    %mul3A_2 = arith.muli %add3A, %mul3A_1 : i32
    %mul3A_3 = arith.constant 640 : i32
    %mul3A_4 = arith.muli %arg1, %mul3A_3 : i32
    %mul3A_5 = arith.constant 640 : i32
    %mul3A_6 = arith.muli %arg1, %mul3A_5 : i32
    "tpu.region"() ({
      %run_scoped3A = tpu.sem_alloc : memref<!tpu.dma_semaphore, #tpu.memory_space<semaphore_mem>>
      %dma_start3A_73 = arith.constant 0 : i32
      %dma_start3A_74 = tpu.memref_slice %arg17[%mul3A_6, %dma_start3A_73] : memref<10240x128xf32, #tpu.memory_space<vmem_shared>> -> memref<640x128xf32, #tpu.memory_space<vmem_shared>>
      %dma_start3A_75 = arith.constant 0 : i32
      %dma_start3A_76 = tpu.memref_slice %arg5[%mul3A_4, %dma_start3A_75] : memref<10240x128xf32, #tpu.memory_space<hbm>> -> memref<640x128xf32, #tpu.memory_space<hbm>>
      tpu.enqueue_dma source(%dma_start3A_76 : memref<640x128xf32, #tpu.memory_space<hbm>>) target(%dma_start3A_74 : memref<640x128xf32, #tpu.memory_space<vmem_shared>>) target_semaphore(%run_scoped3A : memref<!tpu.dma_semaphore, #tpu.memory_space<semaphore_mem>>)
      %dma_wait3A_77 = arith.constant 0 : i32
      %dma_wait3A_78 = tpu.memref_slice %arg17[%mul3A_6, %dma_wait3A_77] : memref<10240x128xf32, #tpu.memory_space<vmem_shared>> -> memref<640x128xf32, #tpu.memory_space<vmem_shared>>
      %dma_wait3A_79 = arith.constant 0 : i32
      %dma_wait3A_80 = tpu.memref_slice %arg5[%mul3A_4, %dma_wait3A_79] : memref<10240x128xf32, #tpu.memory_space<hbm>> -> memref<640x128xf32, #tpu.memory_space<hbm>>
      tpu.wait_dma2 semaphore(%run_scoped3A : memref<!tpu.dma_semaphore, #tpu.memory_space<semaphore_mem>>) src(%dma_wait3A_80 : memref<640x128xf32, #tpu.memory_space<hbm>>) dst(%dma_wait3A_78 : memref<640x128xf32, #tpu.memory_space<vmem_shared>>)
      tpu.yield
    }) : () -> ()
    %barrier3A = arith.constant 0 : index
    tpu.barrier barrier_id(%barrier3A)
    %add3A_7 = arith.constant 0 : i32
    %add3A_8 = arith.addi %mul3A_2, %add3A_7 : i32
    %dma_start3A = tpu.memref_slice %arg3[%add3A_8] : memref<327680xi32, #tpu.memory_space<hbm>> -> memref<128xi32, #tpu.memory_space<hbm>>
    %dma_start3A_9 = tpu.memref_slice %arg3[%add3A_8] : memref<327680xi32, #tpu.memory_space<hbm>> -> memref<128xi32, #tpu.memory_space<hbm>>
    tpu.enqueue_dma source(%dma_start3A_9 : memref<128xi32, #tpu.memory_space<hbm>>) target(%arg7 : memref<128xi32, #tpu.memory_space<vmem>>) target_semaphore(%arg20 : memref<!tpu.dma_semaphore, #tpu.memory_space<semaphore_mem>>)
    %add3A_10 = arith.constant 0 : i32
    %add3A_11 = arith.addi %mul3A_2, %add3A_10 : i32
    %dma_start3A_12 = tpu.memref_slice %arg4[%add3A_11] : memref<327680xi32, #tpu.memory_space<hbm>> -> memref<128xi32, #tpu.memory_space<hbm>>
    %dma_start3A_13 = tpu.memref_slice %arg4[%add3A_11] : memref<327680xi32, #tpu.memory_space<hbm>> -> memref<128xi32, #tpu.memory_space<hbm>>
    tpu.enqueue_dma source(%dma_start3A_13 : memref<128xi32, #tpu.memory_space<hbm>>) target(%arg11 : memref<128xi32, #tpu.memory_space<vmem>>) target_semaphore(%arg20 : memref<!tpu.dma_semaphore, #tpu.memory_space<semaphore_mem>>)
    %add3A_14 = arith.constant 128 : i32
    %add3A_15 = arith.addi %mul3A_2, %add3A_14 : i32
    %dma_start3A_16 = tpu.memref_slice %arg3[%add3A_15] : memref<327680xi32, #tpu.memory_space<hbm>> -> memref<128xi32, #tpu.memory_space<hbm>>
    %dma_start3A_17 = tpu.memref_slice %arg3[%add3A_15] : memref<327680xi32, #tpu.memory_space<hbm>> -> memref<128xi32, #tpu.memory_space<hbm>>
    tpu.enqueue_dma source(%dma_start3A_17 : memref<128xi32, #tpu.memory_space<hbm>>) target(%arg8 : memref<128xi32, #tpu.memory_space<vmem>>) target_semaphore(%arg21 : memref<!tpu.dma_semaphore, #tpu.memory_space<semaphore_mem>>)
    %add3A_18 = arith.constant 128 : i32
    %add3A_19 = arith.addi %mul3A_2, %add3A_18 : i32
    %dma_start3A_20 = tpu.memref_slice %arg4[%add3A_19] : memref<327680xi32, #tpu.memory_space<hbm>> -> memref<128xi32, #tpu.memory_space<hbm>>
    %dma_start3A_21 = tpu.memref_slice %arg4[%add3A_19] : memref<327680xi32, #tpu.memory_space<hbm>> -> memref<128xi32, #tpu.memory_space<hbm>>
    tpu.enqueue_dma source(%dma_start3A_21 : memref<128xi32, #tpu.memory_space<hbm>>) target(%arg12 : memref<128xi32, #tpu.memory_space<vmem>>) target_semaphore(%arg21 : memref<!tpu.dma_semaphore, #tpu.memory_space<semaphore_mem>>)
    %add3A_22 = arith.constant 0 : i32
    %add3A_23 = arith.addi %mul3A_2, %add3A_22 : i32
    %dma_wait3A = tpu.memref_slice %arg3[%add3A_23] : memref<327680xi32, #tpu.memory_space<hbm>> -> memref<128xi32, #tpu.memory_space<hbm>>
    %dma_wait3A_24 = tpu.memref_slice %arg3[%add3A_23] : memref<327680xi32, #tpu.memory_space<hbm>> -> memref<128xi32, #tpu.memory_space<hbm>>
    tpu.wait_dma2 semaphore(%arg20 : memref<!tpu.dma_semaphore, #tpu.memory_space<semaphore_mem>>) src(%dma_wait3A_24 : memref<128xi32, #tpu.memory_space<hbm>>) dst(%arg7 : memref<128xi32, #tpu.memory_space<vmem>>)
    %add3A_25 = arith.constant 0 : i32
    %add3A_26 = arith.addi %mul3A_2, %add3A_25 : i32
    %dma_wait3A_27 = tpu.memref_slice %arg4[%add3A_26] : memref<327680xi32, #tpu.memory_space<hbm>> -> memref<128xi32, #tpu.memory_space<hbm>>
    %dma_wait3A_28 = tpu.memref_slice %arg4[%add3A_26] : memref<327680xi32, #tpu.memory_space<hbm>> -> memref<128xi32, #tpu.memory_space<hbm>>
    tpu.wait_dma2 semaphore(%arg20 : memref<!tpu.dma_semaphore, #tpu.memory_space<semaphore_mem>>) src(%dma_wait3A_28 : memref<128xi32, #tpu.memory_space<hbm>>) dst(%arg11 : memref<128xi32, #tpu.memory_space<vmem>>)
    %dma_start3A_29 = arith.constant 0 : i32
    %dma_start3A_30 = arith.constant 0 : i32
    %dma_start3A_31 = tpu.memref_slice %arg2[%dma_start3A_29, %dma_start3A_30] : memref<10240x128xf32, #tpu.memory_space<hbm>> -> memref<10240x128xf32, #tpu.memory_space<hbm>>
    tpu.enqueue_indirect_dma source(%dma_start3A_31 : memref<10240x128xf32, #tpu.memory_space<hbm>>) target(%arg15 : memref<128x128xf32, #tpu.memory_space<vmem>>) offsets(%arg7 : memref<128xi32, #tpu.memory_space<vmem>>) semaphore(%arg18 : memref<!tpu.dma_semaphore, #tpu.memory_space<semaphore_mem>>)
    %add3A_32 = arith.constant 128 : i32
    %add3A_33 = arith.addi %mul3A_2, %add3A_32 : i32
    %dma_wait3A_34 = tpu.memref_slice %arg3[%add3A_33] : memref<327680xi32, #tpu.memory_space<hbm>> -> memref<128xi32, #tpu.memory_space<hbm>>
    %dma_wait3A_35 = tpu.memref_slice %arg3[%add3A_33] : memref<327680xi32, #tpu.memory_space<hbm>> -> memref<128xi32, #tpu.memory_space<hbm>>
    tpu.wait_dma2 semaphore(%arg21 : memref<!tpu.dma_semaphore, #tpu.memory_space<semaphore_mem>>) src(%dma_wait3A_35 : memref<128xi32, #tpu.memory_space<hbm>>) dst(%arg8 : memref<128xi32, #tpu.memory_space<vmem>>)
    %add3A_36 = arith.constant 128 : i32
    %add3A_37 = arith.addi %mul3A_2, %add3A_36 : i32
    %dma_wait3A_38 = tpu.memref_slice %arg4[%add3A_37] : memref<327680xi32, #tpu.memory_space<hbm>> -> memref<128xi32, #tpu.memory_space<hbm>>
    %dma_wait3A_39 = tpu.memref_slice %arg4[%add3A_37] : memref<327680xi32, #tpu.memory_space<hbm>> -> memref<128xi32, #tpu.memory_space<hbm>>
    tpu.wait_dma2 semaphore(%arg21 : memref<!tpu.dma_semaphore, #tpu.memory_space<semaphore_mem>>) src(%dma_wait3A_39 : memref<128xi32, #tpu.memory_space<hbm>>) dst(%arg12 : memref<128xi32, #tpu.memory_space<vmem>>)
    %dma_start3A_40 = arith.constant 0 : i32
    %dma_start3A_41 = arith.constant 0 : i32
    %dma_start3A_42 = tpu.memref_slice %arg2[%dma_start3A_40, %dma_start3A_41] : memref<10240x128xf32, #tpu.memory_space<hbm>> -> memref<10240x128xf32, #tpu.memory_space<hbm>>
    tpu.enqueue_indirect_dma source(%dma_start3A_42 : memref<10240x128xf32, #tpu.memory_space<hbm>>) target(%arg16 : memref<128x128xf32, #tpu.memory_space<vmem>>) offsets(%arg8 : memref<128xi32, #tpu.memory_space<vmem>>) semaphore(%arg19 : memref<!tpu.dma_semaphore, #tpu.memory_space<semaphore_mem>>)
    %add3A_43 = arith.constant 256 : i32
    %add3A_44 = arith.addi %mul3A_2, %add3A_43 : i32
    %dma_start3A_45 = tpu.memref_slice %arg3[%add3A_44] : memref<327680xi32, #tpu.memory_space<hbm>> -> memref<128xi32, #tpu.memory_space<hbm>>
    %dma_start3A_46 = tpu.memref_slice %arg3[%add3A_44] : memref<327680xi32, #tpu.memory_space<hbm>> -> memref<128xi32, #tpu.memory_space<hbm>>
    tpu.enqueue_dma source(%dma_start3A_46 : memref<128xi32, #tpu.memory_space<hbm>>) target(%arg9 : memref<128xi32, #tpu.memory_space<vmem>>) target_semaphore(%arg22 : memref<!tpu.dma_semaphore, #tpu.memory_space<semaphore_mem>>)
    %add3A_47 = arith.constant 256 : i32
    %add3A_48 = arith.addi %mul3A_2, %add3A_47 : i32
    %dma_start3A_49 = tpu.memref_slice %arg4[%add3A_48] : memref<327680xi32, #tpu.memory_space<hbm>> -> memref<128xi32, #tpu.memory_space<hbm>>
    %dma_start3A_50 = tpu.memref_slice %arg4[%add3A_48] : memref<327680xi32, #tpu.memory_space<hbm>> -> memref<128xi32, #tpu.memory_space<hbm>>
    tpu.enqueue_dma source(%dma_start3A_50 : memref<128xi32, #tpu.memory_space<hbm>>) target(%arg13 : memref<128xi32, #tpu.memory_space<vmem>>) target_semaphore(%arg22 : memref<!tpu.dma_semaphore, #tpu.memory_space<semaphore_mem>>)
    %add3A_51 = arith.constant 384 : i32
    %add3A_52 = arith.addi %mul3A_2, %add3A_51 : i32
    %dma_start3A_53 = tpu.memref_slice %arg3[%add3A_52] : memref<327680xi32, #tpu.memory_space<hbm>> -> memref<128xi32, #tpu.memory_space<hbm>>
    %dma_start3A_54 = tpu.memref_slice %arg3[%add3A_52] : memref<327680xi32, #tpu.memory_space<hbm>> -> memref<128xi32, #tpu.memory_space<hbm>>
    tpu.enqueue_dma source(%dma_start3A_54 : memref<128xi32, #tpu.memory_space<hbm>>) target(%arg10 : memref<128xi32, #tpu.memory_space<vmem>>) target_semaphore(%arg23 : memref<!tpu.dma_semaphore, #tpu.memory_space<semaphore_mem>>)
    %add3A_55 = arith.constant 384 : i32
    %add3A_56 = arith.addi %mul3A_2, %add3A_55 : i32
    %dma_start3A_57 = tpu.memref_slice %arg4[%add3A_56] : memref<327680xi32, #tpu.memory_space<hbm>> -> memref<128xi32, #tpu.memory_space<hbm>>
    %dma_start3A_58 = tpu.memref_slice %arg4[%add3A_56] : memref<327680xi32, #tpu.memory_space<hbm>> -> memref<128xi32, #tpu.memory_space<hbm>>
    tpu.enqueue_dma source(%dma_start3A_58 : memref<128xi32, #tpu.memory_space<hbm>>) target(%arg14 : memref<128xi32, #tpu.memory_space<vmem>>) target_semaphore(%arg23 : memref<!tpu.dma_semaphore, #tpu.memory_space<semaphore_mem>>)
    %scan3A = arith.constant 0 : i32
    %scan3A_59 = arith.constant 0 : i32
    %scan3A_60 = arith.constant 20 : i32
    %scan3A_61 = arith.addi %scan3A_59, %scan3A_60 : i32
    %scan3A_62 = arith.constant 1 : i32
    %scan3A_63 = scf.for %scan3A_73 = %scan3A_59 to %scan3A_61 step %scan3A_62 iter_args(%scan3A_74 = %scan3A) -> (i32)  : i32 {
      %mul3A_75 = arith.constant 4 : i32
      %mul3A_76 = arith.muli %mul3A_75, %scan3A_73 : i32
      %lt3A = arith.constant 19 : i32
      %lt3A_77 = arith.cmpi slt, %scan3A_73, %lt3A : i32
      %dma_wait3A_78 = arith.constant 0 : i32
      %dma_wait3A_79 = arith.constant 0 : i32
      %dma_wait3A_80 = tpu.memref_slice %arg2[%dma_wait3A_78, %dma_wait3A_79] : memref<10240x128xf32, #tpu.memory_space<hbm>> -> memref<10240x128xf32, #tpu.memory_space<hbm>>
      tpu.wait_indirect_dma semaphore(%arg18 : memref<!tpu.dma_semaphore, #tpu.memory_space<semaphore_mem>>) src(%dma_wait3A_80 : memref<10240x128xf32, #tpu.memory_space<hbm>>) dst(%arg15 : memref<128x128xf32, #tpu.memory_space<vmem>>)
      "tpu.region"() ({
        %run_scoped3A = tpu.sem_alloc : memref<!tpu.dma_semaphore, #tpu.memory_space<semaphore_mem>>
        %dma_start3A_131 = arith.constant 0 : i32
        %dma_start3A_132 = arith.constant 0 : i32
        %dma_start3A_133 = tpu.memref_slice %arg17[%dma_start3A_131, %dma_start3A_132] : memref<10240x128xf32, #tpu.memory_space<vmem_shared>> -> memref<10240x128xf32, #tpu.memory_space<vmem_shared>>
        tpu.enqueue_indirect_dma source(%arg15 : memref<128x128xf32, #tpu.memory_space<vmem>>) target(%dma_start3A_133 : memref<10240x128xf32, #tpu.memory_space<vmem_shared>>) offsets(%arg11 : memref<128xi32, #tpu.memory_space<vmem>>) semaphore(%run_scoped3A : memref<!tpu.dma_semaphore, #tpu.memory_space<semaphore_mem>>) {add = true}
        %dma_wait3A_134 = arith.constant 0 : i32
        %dma_wait3A_135 = arith.constant 0 : i32
        %dma_wait3A_136 = tpu.memref_slice %arg17[%dma_wait3A_134, %dma_wait3A_135] : memref<10240x128xf32, #tpu.memory_space<vmem_shared>> -> memref<10240x128xf32, #tpu.memory_space<vmem_shared>>
        tpu.wait_indirect_dma semaphore(%run_scoped3A : memref<!tpu.dma_semaphore, #tpu.memory_space<semaphore_mem>>) src(%arg15 : memref<128x128xf32, #tpu.memory_space<vmem>>) dst(%dma_wait3A_136 : memref<10240x128xf32, #tpu.memory_space<vmem_shared>>)
        tpu.yield
      }) : () -> ()
      %add3A_81 = arith.constant 2 : i32
      %add3A_82 = arith.addi %mul3A_76, %add3A_81 : i32
      %mul3A_83 = arith.constant 128 : i32
      %mul3A_84 = arith.muli %add3A_82, %mul3A_83 : i32
      %add3A_85 = arith.addi %mul3A_2, %mul3A_84 : i32
      %dma_wait3A_86 = tpu.memref_slice %arg3[%add3A_85] : memref<327680xi32, #tpu.memory_space<hbm>> -> memref<128xi32, #tpu.memory_space<hbm>>
      %dma_wait3A_87 = tpu.memref_slice %arg3[%add3A_85] : memref<327680xi32, #tpu.memory_space<hbm>> -> memref<128xi32, #tpu.memory_space<hbm>>
      tpu.wait_dma2 semaphore(%arg22 : memref<!tpu.dma_semaphore, #tpu.memory_space<semaphore_mem>>) src(%dma_wait3A_87 : memref<128xi32, #tpu.memory_space<hbm>>) dst(%arg9 : memref<128xi32, #tpu.memory_space<vmem>>)
      %mul3A_88 = arith.constant 128 : i32
      %mul3A_89 = arith.muli %add3A_82, %mul3A_88 : i32
      %add3A_90 = arith.addi %mul3A_2, %mul3A_89 : i32
      %dma_wait3A_91 = tpu.memref_slice %arg4[%add3A_90] : memref<327680xi32, #tpu.memory_space<hbm>> -> memref<128xi32, #tpu.memory_space<hbm>>
      %dma_wait3A_92 = tpu.memref_slice %arg4[%add3A_90] : memref<327680xi32, #tpu.memory_space<hbm>> -> memref<128xi32, #tpu.memory_space<hbm>>
      tpu.wait_dma2 semaphore(%arg22 : memref<!tpu.dma_semaphore, #tpu.memory_space<semaphore_mem>>) src(%dma_wait3A_92 : memref<128xi32, #tpu.memory_space<hbm>>) dst(%arg13 : memref<128xi32, #tpu.memory_space<vmem>>)
      %dma_start3A_93 = arith.constant 0 : i32
      %dma_start3A_94 = arith.constant 0 : i32
      %dma_start3A_95 = tpu.memref_slice %arg2[%dma_start3A_93, %dma_start3A_94] : memref<10240x128xf32, #tpu.memory_space<hbm>> -> memref<10240x128xf32, #tpu.memory_space<hbm>>
      tpu.enqueue_indirect_dma source(%dma_start3A_95 : memref<10240x128xf32, #tpu.memory_space<hbm>>) target(%arg15 : memref<128x128xf32, #tpu.memory_space<vmem>>) offsets(%arg9 : memref<128xi32, #tpu.memory_space<vmem>>) semaphore(%arg18 : memref<!tpu.dma_semaphore, #tpu.memory_space<semaphore_mem>>)
      %convert_element_type3A = arith.extui %lt3A_77 : i1 to i32
      %cond3A = arith.constant 0 : i32
      %cond3A_96 = arith.cmpi ne, %convert_element_type3A, %cond3A : i32
      scf.if %cond3A_96 {
        %add3A_131 = arith.constant 4 : i32
        %add3A_132 = arith.addi %mul3A_76, %add3A_131 : i32
        %mul3A_133 = arith.constant 128 : i32
        %mul3A_134 = arith.muli %add3A_132, %mul3A_133 : i32
        %add3A_135 = arith.addi %mul3A_2, %mul3A_134 : i32
        %dma_start3A_136 = tpu.memref_slice %arg3[%add3A_135] : memref<327680xi32, #tpu.memory_space<hbm>> -> memref<128xi32, #tpu.memory_space<hbm>>
        %dma_start3A_137 = tpu.memref_slice %arg3[%add3A_135] : memref<327680xi32, #tpu.memory_space<hbm>> -> memref<128xi32, #tpu.memory_space<hbm>>
        tpu.enqueue_dma source(%dma_start3A_137 : memref<128xi32, #tpu.memory_space<hbm>>) target(%arg7 : memref<128xi32, #tpu.memory_space<vmem>>) target_semaphore(%arg20 : memref<!tpu.dma_semaphore, #tpu.memory_space<semaphore_mem>>)
        %mul3A_138 = arith.constant 128 : i32
        %mul3A_139 = arith.muli %add3A_132, %mul3A_138 : i32
        %add3A_140 = arith.addi %mul3A_2, %mul3A_139 : i32
        %dma_start3A_141 = tpu.memref_slice %arg4[%add3A_140] : memref<327680xi32, #tpu.memory_space<hbm>> -> memref<128xi32, #tpu.memory_space<hbm>>
        %dma_start3A_142 = tpu.memref_slice %arg4[%add3A_140] : memref<327680xi32, #tpu.memory_space<hbm>> -> memref<128xi32, #tpu.memory_space<hbm>>
        tpu.enqueue_dma source(%dma_start3A_142 : memref<128xi32, #tpu.memory_space<hbm>>) target(%arg11 : memref<128xi32, #tpu.memory_space<vmem>>) target_semaphore(%arg20 : memref<!tpu.dma_semaphore, #tpu.memory_space<semaphore_mem>>)
      } else {
      }
      %dma_wait3A_97 = arith.constant 0 : i32
      %dma_wait3A_98 = arith.constant 0 : i32
      %dma_wait3A_99 = tpu.memref_slice %arg2[%dma_wait3A_97, %dma_wait3A_98] : memref<10240x128xf32, #tpu.memory_space<hbm>> -> memref<10240x128xf32, #tpu.memory_space<hbm>>
      tpu.wait_indirect_dma semaphore(%arg19 : memref<!tpu.dma_semaphore, #tpu.memory_space<semaphore_mem>>) src(%dma_wait3A_99 : memref<10240x128xf32, #tpu.memory_space<hbm>>) dst(%arg16 : memref<128x128xf32, #tpu.memory_space<vmem>>)
      "tpu.region"() ({
        %run_scoped3A = tpu.sem_alloc : memref<!tpu.dma_semaphore, #tpu.memory_space<semaphore_mem>>
        %dma_start3A_131 = arith.constant 0 : i32
        %dma_start3A_132 = arith.constant 0 : i32
        %dma_start3A_133 = tpu.memref_slice %arg17[%dma_start3A_131, %dma_start3A_132] : memref<10240x128xf32, #tpu.memory_space<vmem_shared>> -> memref<10240x128xf32, #tpu.memory_space<vmem_shared>>
        tpu.enqueue_indirect_dma source(%arg16 : memref<128x128xf32, #tpu.memory_space<vmem>>) target(%dma_start3A_133 : memref<10240x128xf32, #tpu.memory_space<vmem_shared>>) offsets(%arg12 : memref<128xi32, #tpu.memory_space<vmem>>) semaphore(%run_scoped3A : memref<!tpu.dma_semaphore, #tpu.memory_space<semaphore_mem>>) {add = true}
        %dma_wait3A_134 = arith.constant 0 : i32
        %dma_wait3A_135 = arith.constant 0 : i32
        %dma_wait3A_136 = tpu.memref_slice %arg17[%dma_wait3A_134, %dma_wait3A_135] : memref<10240x128xf32, #tpu.memory_space<vmem_shared>> -> memref<10240x128xf32, #tpu.memory_space<vmem_shared>>
        tpu.wait_indirect_dma semaphore(%run_scoped3A : memref<!tpu.dma_semaphore, #tpu.memory_space<semaphore_mem>>) src(%arg16 : memref<128x128xf32, #tpu.memory_space<vmem>>) dst(%dma_wait3A_136 : memref<10240x128xf32, #tpu.memory_space<vmem_shared>>)
        tpu.yield
      }) : () -> ()
      %add3A_100 = arith.constant 3 : i32
      %add3A_101 = arith.addi %mul3A_76, %add3A_100 : i32
      %mul3A_102 = arith.constant 128 : i32
      %mul3A_103 = arith.muli %add3A_101, %mul3A_102 : i32
      %add3A_104 = arith.addi %mul3A_2, %mul3A_103 : i32
      %dma_wait3A_105 = tpu.memref_slice %arg3[%add3A_104] : memref<327680xi32, #tpu.memory_space<hbm>> -> memref<128xi32, #tpu.memory_space<hbm>>
      %dma_wait3A_106 = tpu.memref_slice %arg3[%add3A_104] : memref<327680xi32, #tpu.memory_space<hbm>> -> memref<128xi32, #tpu.memory_space<hbm>>
      tpu.wait_dma2 semaphore(%arg23 : memref<!tpu.dma_semaphore, #tpu.memory_space<semaphore_mem>>) src(%dma_wait3A_106 : memref<128xi32, #tpu.memory_space<hbm>>) dst(%arg10 : memref<128xi32, #tpu.memory_space<vmem>>)
      %mul3A_107 = arith.constant 128 : i32
      %mul3A_108 = arith.muli %add3A_101, %mul3A_107 : i32
      %add3A_109 = arith.addi %mul3A_2, %mul3A_108 : i32
      %dma_wait3A_110 = tpu.memref_slice %arg4[%add3A_109] : memref<327680xi32, #tpu.memory_space<hbm>> -> memref<128xi32, #tpu.memory_space<hbm>>
      %dma_wait3A_111 = tpu.memref_slice %arg4[%add3A_109] : memref<327680xi32, #tpu.memory_space<hbm>> -> memref<128xi32, #tpu.memory_space<hbm>>
      tpu.wait_dma2 semaphore(%arg23 : memref<!tpu.dma_semaphore, #tpu.memory_space<semaphore_mem>>) src(%dma_wait3A_111 : memref<128xi32, #tpu.memory_space<hbm>>) dst(%arg14 : memref<128xi32, #tpu.memory_space<vmem>>)
      %dma_start3A_112 = arith.constant 0 : i32
      %dma_start3A_113 = arith.constant 0 : i32
      %dma_start3A_114 = tpu.memref_slice %arg2[%dma_start3A_112, %dma_start3A_113] : memref<10240x128xf32, #tpu.memory_space<hbm>> -> memref<10240x128xf32, #tpu.memory_space<hbm>>
      tpu.enqueue_indirect_dma source(%dma_start3A_114 : memref<10240x128xf32, #tpu.memory_space<hbm>>) target(%arg16 : memref<128x128xf32, #tpu.memory_space<vmem>>) offsets(%arg10 : memref<128xi32, #tpu.memory_space<vmem>>) semaphore(%arg19 : memref<!tpu.dma_semaphore, #tpu.memory_space<semaphore_mem>>)
      %convert_element_type3A_115 = arith.extui %lt3A_77 : i1 to i32
      %cond3A_116 = arith.constant 0 : i32
      %cond3A_117 = arith.cmpi ne, %convert_element_type3A_115, %cond3A_116 : i32
      scf.if %cond3A_117 {
        %add3A_131 = arith.constant 5 : i32
        %add3A_132 = arith.addi %mul3A_76, %add3A_131 : i32
        %mul3A_133 = arith.constant 128 : i32
        %mul3A_134 = arith.muli %add3A_132, %mul3A_133 : i32
        %add3A_135 = arith.addi %mul3A_2, %mul3A_134 : i32
        %dma_start3A_136 = tpu.memref_slice %arg3[%add3A_135] : memref<327680xi32, #tpu.memory_space<hbm>> -> memref<128xi32, #tpu.memory_space<hbm>>
        %dma_start3A_137 = tpu.memref_slice %arg3[%add3A_135] : memref<327680xi32, #tpu.memory_space<hbm>> -> memref<128xi32, #tpu.memory_space<hbm>>
        tpu.enqueue_dma source(%dma_start3A_137 : memref<128xi32, #tpu.memory_space<hbm>>) target(%arg8 : memref<128xi32, #tpu.memory_space<vmem>>) target_semaphore(%arg21 : memref<!tpu.dma_semaphore, #tpu.memory_space<semaphore_mem>>)
        %mul3A_138 = arith.constant 128 : i32
        %mul3A_139 = arith.muli %add3A_132, %mul3A_138 : i32
        %add3A_140 = arith.addi %mul3A_2, %mul3A_139 : i32
        %dma_start3A_141 = tpu.memref_slice %arg4[%add3A_140] : memref<327680xi32, #tpu.memory_space<hbm>> -> memref<128xi32, #tpu.memory_space<hbm>>
        %dma_start3A_142 = tpu.memref_slice %arg4[%add3A_140] : memref<327680xi32, #tpu.memory_space<hbm>> -> memref<128xi32, #tpu.memory_space<hbm>>
        tpu.enqueue_dma source(%dma_start3A_142 : memref<128xi32, #tpu.memory_space<hbm>>) target(%arg12 : memref<128xi32, #tpu.memory_space<vmem>>) target_semaphore(%arg21 : memref<!tpu.dma_semaphore, #tpu.memory_space<semaphore_mem>>)
      } else {
      }
      %dma_wait3A_118 = arith.constant 0 : i32
      %dma_wait3A_119 = arith.constant 0 : i32
      %dma_wait3A_120 = tpu.memref_slice %arg2[%dma_wait3A_118, %dma_wait3A_119] : memref<10240x128xf32, #tpu.memory_space<hbm>> -> memref<10240x128xf32, #tpu.memory_space<hbm>>
      tpu.wait_indirect_dma semaphore(%arg18 : memref<!tpu.dma_semaphore, #tpu.memory_space<semaphore_mem>>) src(%dma_wait3A_120 : memref<10240x128xf32, #tpu.memory_space<hbm>>) dst(%arg15 : memref<128x128xf32, #tpu.memory_space<vmem>>)
      "tpu.region"() ({
        %run_scoped3A = tpu.sem_alloc : memref<!tpu.dma_semaphore, #tpu.memory_space<semaphore_mem>>
        %dma_start3A_131 = arith.constant 0 : i32
        %dma_start3A_132 = arith.constant 0 : i32
        %dma_start3A_133 = tpu.memref_slice %arg17[%dma_start3A_131, %dma_start3A_132] : memref<10240x128xf32, #tpu.memory_space<vmem_shared>> -> memref<10240x128xf32, #tpu.memory_space<vmem_shared>>
        tpu.enqueue_indirect_dma source(%arg15 : memref<128x128xf32, #tpu.memory_space<vmem>>) target(%dma_start3A_133 : memref<10240x128xf32, #tpu.memory_space<vmem_shared>>) offsets(%arg13 : memref<128xi32, #tpu.memory_space<vmem>>) semaphore(%run_scoped3A : memref<!tpu.dma_semaphore, #tpu.memory_space<semaphore_mem>>) {add = true}
        %dma_wait3A_134 = arith.constant 0 : i32
        %dma_wait3A_135 = arith.constant 0 : i32
        %dma_wait3A_136 = tpu.memref_slice %arg17[%dma_wait3A_134, %dma_wait3A_135] : memref<10240x128xf32, #tpu.memory_space<vmem_shared>> -> memref<10240x128xf32, #tpu.memory_space<vmem_shared>>
        tpu.wait_indirect_dma semaphore(%run_scoped3A : memref<!tpu.dma_semaphore, #tpu.memory_space<semaphore_mem>>) src(%arg15 : memref<128x128xf32, #tpu.memory_space<vmem>>) dst(%dma_wait3A_136 : memref<10240x128xf32, #tpu.memory_space<vmem_shared>>)
        tpu.yield
      }) : () -> ()
      %convert_element_type3A_121 = arith.extui %lt3A_77 : i1 to i32
      %cond3A_122 = arith.constant 0 : i32
      %cond3A_123 = arith.cmpi ne, %convert_element_type3A_121, %cond3A_122 : i32
      scf.if %cond3A_123 {
        %add3A_131 = arith.constant 4 : i32
        %add3A_132 = arith.addi %mul3A_76, %add3A_131 : i32
        %mul3A_133 = arith.constant 128 : i32
        %mul3A_134 = arith.muli %add3A_132, %mul3A_133 : i32
        %add3A_135 = arith.addi %mul3A_2, %mul3A_134 : i32
        %dma_wait3A_136 = tpu.memref_slice %arg3[%add3A_135] : memref<327680xi32, #tpu.memory_space<hbm>> -> memref<128xi32, #tpu.memory_space<hbm>>
        %dma_wait3A_137 = tpu.memref_slice %arg3[%add3A_135] : memref<327680xi32, #tpu.memory_space<hbm>> -> memref<128xi32, #tpu.memory_space<hbm>>
        tpu.wait_dma2 semaphore(%arg20 : memref<!tpu.dma_semaphore, #tpu.memory_space<semaphore_mem>>) src(%dma_wait3A_137 : memref<128xi32, #tpu.memory_space<hbm>>) dst(%arg7 : memref<128xi32, #tpu.memory_space<vmem>>)
        %mul3A_138 = arith.constant 128 : i32
        %mul3A_139 = arith.muli %add3A_132, %mul3A_138 : i32
        %add3A_140 = arith.addi %mul3A_2, %mul3A_139 : i32
        %dma_wait3A_141 = tpu.memref_slice %arg4[%add3A_140] : memref<327680xi32, #tpu.memory_space<hbm>> -> memref<128xi32, #tpu.memory_space<hbm>>
        %dma_wait3A_142 = tpu.memref_slice %arg4[%add3A_140] : memref<327680xi32, #tpu.memory_space<hbm>> -> memref<128xi32, #tpu.memory_space<hbm>>
        tpu.wait_dma2 semaphore(%arg20 : memref<!tpu.dma_semaphore, #tpu.memory_space<semaphore_mem>>) src(%dma_wait3A_142 : memref<128xi32, #tpu.memory_space<hbm>>) dst(%arg11 : memref<128xi32, #tpu.memory_space<vmem>>)
        %dma_start3A_143 = arith.constant 0 : i32
        %dma_start3A_144 = arith.constant 0 : i32
        %dma_start3A_145 = tpu.memref_slice %arg2[%dma_start3A_143, %dma_start3A_144] : memref<10240x128xf32, #tpu.memory_space<hbm>> -> memref<10240x128xf32, #tpu.memory_space<hbm>>
        tpu.enqueue_indirect_dma source(%dma_start3A_145 : memref<10240x128xf32, #tpu.memory_space<hbm>>) target(%arg15 : memref<128x128xf32, #tpu.memory_space<vmem>>) offsets(%arg7 : memref<128xi32, #tpu.memory_space<vmem>>) semaphore(%arg18 : memref<!tpu.dma_semaphore, #tpu.memory_space<semaphore_mem>>)
        %add3A_146 = arith.constant 6 : i32
        %add3A_147 = arith.addi %mul3A_76, %add3A_146 : i32
        %mul3A_148 = arith.constant 128 : i32
        %mul3A_149 = arith.muli %add3A_147, %mul3A_148 : i32
        %add3A_150 = arith.addi %mul3A_2, %mul3A_149 : i32
        %dma_start3A_151 = tpu.memref_slice %arg3[%add3A_150] : memref<327680xi32, #tpu.memory_space<hbm>> -> memref<128xi32, #tpu.memory_space<hbm>>
        %dma_start3A_152 = tpu.memref_slice %arg3[%add3A_150] : memref<327680xi32, #tpu.memory_space<hbm>> -> memref<128xi32, #tpu.memory_space<hbm>>
        tpu.enqueue_dma source(%dma_start3A_152 : memref<128xi32, #tpu.memory_space<hbm>>) target(%arg9 : memref<128xi32, #tpu.memory_space<vmem>>) target_semaphore(%arg22 : memref<!tpu.dma_semaphore, #tpu.memory_space<semaphore_mem>>)
        %mul3A_153 = arith.constant 128 : i32
        %mul3A_154 = arith.muli %add3A_147, %mul3A_153 : i32
        %add3A_155 = arith.addi %mul3A_2, %mul3A_154 : i32
        %dma_start3A_156 = tpu.memref_slice %arg4[%add3A_155] : memref<327680xi32, #tpu.memory_space<hbm>> -> memref<128xi32, #tpu.memory_space<hbm>>
        %dma_start3A_157 = tpu.memref_slice %arg4[%add3A_155] : memref<327680xi32, #tpu.memory_space<hbm>> -> memref<128xi32, #tpu.memory_space<hbm>>
        tpu.enqueue_dma source(%dma_start3A_157 : memref<128xi32, #tpu.memory_space<hbm>>) target(%arg13 : memref<128xi32, #tpu.memory_space<vmem>>) target_semaphore(%arg22 : memref<!tpu.dma_semaphore, #tpu.memory_space<semaphore_mem>>)
      } else {
      }
      %dma_wait3A_124 = arith.constant 0 : i32
      %dma_wait3A_125 = arith.constant 0 : i32
      %dma_wait3A_126 = tpu.memref_slice %arg2[%dma_wait3A_124, %dma_wait3A_125] : memref<10240x128xf32, #tpu.memory_space<hbm>> -> memref<10240x128xf32, #tpu.memory_space<hbm>>
      tpu.wait_indirect_dma semaphore(%arg19 : memref<!tpu.dma_semaphore, #tpu.memory_space<semaphore_mem>>) src(%dma_wait3A_126 : memref<10240x128xf32, #tpu.memory_space<hbm>>) dst(%arg16 : memref<128x128xf32, #tpu.memory_space<vmem>>)
      "tpu.region"() ({
        %run_scoped3A = tpu.sem_alloc : memref<!tpu.dma_semaphore, #tpu.memory_space<semaphore_mem>>
        %dma_start3A_131 = arith.constant 0 : i32
        %dma_start3A_132 = arith.constant 0 : i32
        %dma_start3A_133 = tpu.memref_slice %arg17[%dma_start3A_131, %dma_start3A_132] : memref<10240x128xf32, #tpu.memory_space<vmem_shared>> -> memref<10240x128xf32, #tpu.memory_space<vmem_shared>>
        tpu.enqueue_indirect_dma source(%arg16 : memref<128x128xf32, #tpu.memory_space<vmem>>) target(%dma_start3A_133 : memref<10240x128xf32, #tpu.memory_space<vmem_shared>>) offsets(%arg14 : memref<128xi32, #tpu.memory_space<vmem>>) semaphore(%run_scoped3A : memref<!tpu.dma_semaphore, #tpu.memory_space<semaphore_mem>>) {add = true}
        %dma_wait3A_134 = arith.constant 0 : i32
        %dma_wait3A_135 = arith.constant 0 : i32
        %dma_wait3A_136 = tpu.memref_slice %arg17[%dma_wait3A_134, %dma_wait3A_135] : memref<10240x128xf32, #tpu.memory_space<vmem_shared>> -> memref<10240x128xf32, #tpu.memory_space<vmem_shared>>
        tpu.wait_indirect_dma semaphore(%run_scoped3A : memref<!tpu.dma_semaphore, #tpu.memory_space<semaphore_mem>>) src(%arg16 : memref<128x128xf32, #tpu.memory_space<vmem>>) dst(%dma_wait3A_136 : memref<10240x128xf32, #tpu.memory_space<vmem_shared>>)
        tpu.yield
      }) : () -> ()
      %convert_element_type3A_127 = arith.extui %lt3A_77 : i1 to i32
      %cond3A_128 = arith.constant 0 : i32
      %cond3A_129 = arith.cmpi ne, %convert_element_type3A_127, %cond3A_128 : i32
      scf.if %cond3A_129 {
        %add3A_131 = arith.constant 5 : i32
        %add3A_132 = arith.addi %mul3A_76, %add3A_131 : i32
        %mul3A_133 = arith.constant 128 : i32
        %mul3A_134 = arith.muli %add3A_132, %mul3A_133 : i32
        %add3A_135 = arith.addi %mul3A_2, %mul3A_134 : i32
        %dma_wait3A_136 = tpu.memref_slice %arg3[%add3A_135] : memref<327680xi32, #tpu.memory_space<hbm>> -> memref<128xi32, #tpu.memory_space<hbm>>
        %dma_wait3A_137 = tpu.memref_slice %arg3[%add3A_135] : memref<327680xi32, #tpu.memory_space<hbm>> -> memref<128xi32, #tpu.memory_space<hbm>>
        tpu.wait_dma2 semaphore(%arg21 : memref<!tpu.dma_semaphore, #tpu.memory_space<semaphore_mem>>) src(%dma_wait3A_137 : memref<128xi32, #tpu.memory_space<hbm>>) dst(%arg8 : memref<128xi32, #tpu.memory_space<vmem>>)
        %mul3A_138 = arith.constant 128 : i32
        %mul3A_139 = arith.muli %add3A_132, %mul3A_138 : i32
        %add3A_140 = arith.addi %mul3A_2, %mul3A_139 : i32
        %dma_wait3A_141 = tpu.memref_slice %arg4[%add3A_140] : memref<327680xi32, #tpu.memory_space<hbm>> -> memref<128xi32, #tpu.memory_space<hbm>>
        %dma_wait3A_142 = tpu.memref_slice %arg4[%add3A_140] : memref<327680xi32, #tpu.memory_space<hbm>> -> memref<128xi32, #tpu.memory_space<hbm>>
        tpu.wait_dma2 semaphore(%arg21 : memref<!tpu.dma_semaphore, #tpu.memory_space<semaphore_mem>>) src(%dma_wait3A_142 : memref<128xi32, #tpu.memory_space<hbm>>) dst(%arg12 : memref<128xi32, #tpu.memory_space<vmem>>)
        %dma_start3A_143 = arith.constant 0 : i32
        %dma_start3A_144 = arith.constant 0 : i32
        %dma_start3A_145 = tpu.memref_slice %arg2[%dma_start3A_143, %dma_start3A_144] : memref<10240x128xf32, #tpu.memory_space<hbm>> -> memref<10240x128xf32, #tpu.memory_space<hbm>>
        tpu.enqueue_indirect_dma source(%dma_start3A_145 : memref<10240x128xf32, #tpu.memory_space<hbm>>) target(%arg16 : memref<128x128xf32, #tpu.memory_space<vmem>>) offsets(%arg8 : memref<128xi32, #tpu.memory_space<vmem>>) semaphore(%arg19 : memref<!tpu.dma_semaphore, #tpu.memory_space<semaphore_mem>>)
        %add3A_146 = arith.constant 7 : i32
        %add3A_147 = arith.addi %mul3A_76, %add3A_146 : i32
        %mul3A_148 = arith.constant 128 : i32
        %mul3A_149 = arith.muli %add3A_147, %mul3A_148 : i32
        %add3A_150 = arith.addi %mul3A_2, %mul3A_149 : i32
        %dma_start3A_151 = tpu.memref_slice %arg3[%add3A_150] : memref<327680xi32, #tpu.memory_space<hbm>> -> memref<128xi32, #tpu.memory_space<hbm>>
        %dma_start3A_152 = tpu.memref_slice %arg3[%add3A_150] : memref<327680xi32, #tpu.memory_space<hbm>> -> memref<128xi32, #tpu.memory_space<hbm>>
        tpu.enqueue_dma source(%dma_start3A_152 : memref<128xi32, #tpu.memory_space<hbm>>) target(%arg10 : memref<128xi32, #tpu.memory_space<vmem>>) target_semaphore(%arg23 : memref<!tpu.dma_semaphore, #tpu.memory_space<semaphore_mem>>)
        %mul3A_153 = arith.constant 128 : i32
        %mul3A_154 = arith.muli %add3A_147, %mul3A_153 : i32
        %add3A_155 = arith.addi %mul3A_2, %mul3A_154 : i32
        %dma_start3A_156 = tpu.memref_slice %arg4[%add3A_155] : memref<327680xi32, #tpu.memory_space<hbm>> -> memref<128xi32, #tpu.memory_space<hbm>>
        %dma_start3A_157 = tpu.memref_slice %arg4[%add3A_155] : memref<327680xi32, #tpu.memory_space<hbm>> -> memref<128xi32, #tpu.memory_space<hbm>>
        tpu.enqueue_dma source(%dma_start3A_157 : memref<128xi32, #tpu.memory_space<hbm>>) target(%arg14 : memref<128xi32, #tpu.memory_space<vmem>>) target_semaphore(%arg23 : memref<!tpu.dma_semaphore, #tpu.memory_space<semaphore_mem>>)
      } else {
      }
      %scan3A_130 = arith.constant 0 : i32
      scf.yield %scan3A_130 : i32
    }
    %scan3A_64 = arith.constant 20 : i32
    %barrier3A_65 = arith.constant 0 : index
    tpu.barrier barrier_id(%barrier3A_65)
    %mul3A_66 = arith.constant 640 : i32
    %mul3A_67 = arith.muli %arg1, %mul3A_66 : i32
    %mul3A_68 = arith.constant 10240 : i32
    %mul3A_69 = arith.muli %arg0, %mul3A_68 : i32
    %mul3A_70 = arith.constant 640 : i32
    %mul3A_71 = arith.muli %arg1, %mul3A_70 : i32
    %add3A_72 = arith.addi %mul3A_69, %mul3A_71 : i32
    "tpu.region"() ({
      %run_scoped3A = tpu.sem_alloc : memref<!tpu.dma_semaphore, #tpu.memory_space<semaphore_mem>>
      %dma_start3A_73 = arith.constant 0 : i32
      %dma_start3A_74 = tpu.memref_slice %arg6[%add3A_72, %dma_start3A_73] : memref<20480x128xf32, #tpu.memory_space<hbm>> -> memref<640x128xf32, #tpu.memory_space<hbm>>
      %dma_start3A_75 = arith.constant 0 : i32
      %dma_start3A_76 = tpu.memref_slice %arg17[%mul3A_67, %dma_start3A_75] : memref<10240x128xf32, #tpu.memory_space<vmem_shared>> -> memref<640x128xf32, #tpu.memory_space<vmem_shared>>
      tpu.enqueue_dma source(%dma_start3A_76 : memref<640x128xf32, #tpu.memory_space<vmem_shared>>) target(%dma_start3A_74 : memref<640x128xf32, #tpu.memory_space<hbm>>) target_semaphore(%run_scoped3A : memref<!tpu.dma_semaphore, #tpu.memory_space<semaphore_mem>>)
      %dma_wait3A_77 = arith.constant 0 : i32
      %dma_wait3A_78 = tpu.memref_slice %arg6[%add3A_72, %dma_wait3A_77] : memref<20480x128xf32, #tpu.memory_space<hbm>> -> memref<640x128xf32, #tpu.memory_space<hbm>>
      %dma_wait3A_79 = arith.constant 0 : i32
      %dma_wait3A_80 = tpu.memref_slice %arg17[%mul3A_67, %dma_wait3A_79] : memref<10240x128xf32, #tpu.memory_space<vmem_shared>> -> memref<640x128xf32, #tpu.memory_space<vmem_shared>>
      tpu.wait_dma2 semaphore(%run_scoped3A : memref<!tpu.dma_semaphore, #tpu.memory_space<semaphore_mem>>) src(%dma_wait3A_80 : memref<640x128xf32, #tpu.memory_space<vmem_shared>>) dst(%dma_wait3A_78 : memref<640x128xf32, #tpu.memory_space<hbm>>)
      tpu.yield
    }) : () -> ()
    return
  }
}

#map = affine_map<(d0, d1) -> (0)>
#map1 = affine_map<(d0, d1) -> (0, 0)>
module attributes {stable_mosaic.version = 14 : i64} {
  func.func @_sc_counts_body(%arg0: i32, %arg1: i32, %arg2: memref<327680xi32, #tpu.memory_space<hbm>>, %arg3: memref<128x128xf32, #tpu.memory_space<hbm>>, %arg4: memref<10240x128xf32, #tpu.memory_space<hbm>>, %arg5: memref<20480x128xf32, #tpu.memory_space<hbm>>, %arg6: memref<128xi32, #tpu.memory_space<vmem>>, %arg7: memref<128xi32, #tpu.memory_space<vmem>>, %arg8: memref<128xi32, #tpu.memory_space<vmem>>, %arg9: memref<128xi32, #tpu.memory_space<vmem>>, %arg10: memref<128x128xf32, #tpu.memory_space<vmem>>, %arg11: memref<10240x128xf32, #tpu.memory_space<vmem_shared>>, %arg12: memref<!tpu.dma_semaphore, #tpu.memory_space<semaphore_mem>>, %arg13: memref<!tpu.dma_semaphore, #tpu.memory_space<semaphore_mem>>, %arg14: memref<!tpu.dma_semaphore, #tpu.memory_space<semaphore_mem>>, %arg15: memref<!tpu.dma_semaphore, #tpu.memory_space<semaphore_mem>>) attributes {dimension_semantics = [#tpu.dimension_semantics<core_parallel>, #tpu.dimension_semantics<subcore_parallel>], iteration_bounds = array<i64: 2, 16>, scalar_prefetch = 0 : i64, scratch_operands = 10 : i64, tpu.core_type = #tpu.core_type<sc_vector_subcore>, window_params = [{transform_indices = #map}, {transform_indices = #map1}, {transform_indices = #map1}, {transform_indices = #map1}]} {
    %mul3A = arith.constant 16 : i32
    %mul3A_0 = arith.muli %arg0, %mul3A : i32
    %add3A = arith.addi %mul3A_0, %arg1 : i32
    %mul3A_1 = arith.constant 10240 : i32
    %mul3A_2 = arith.muli %add3A, %mul3A_1 : i32
    "tpu.region"() ({
      %run_scoped3A = tpu.sem_alloc : memref<!tpu.dma_semaphore, #tpu.memory_space<semaphore_mem>>
      tpu.enqueue_dma source(%arg3 : memref<128x128xf32, #tpu.memory_space<hbm>>) target(%arg10 : memref<128x128xf32, #tpu.memory_space<vmem>>) target_semaphore(%run_scoped3A : memref<!tpu.dma_semaphore, #tpu.memory_space<semaphore_mem>>)
      tpu.wait_dma2 semaphore(%run_scoped3A : memref<!tpu.dma_semaphore, #tpu.memory_space<semaphore_mem>>) src(%arg3 : memref<128x128xf32, #tpu.memory_space<hbm>>) dst(%arg10 : memref<128x128xf32, #tpu.memory_space<vmem>>)
      tpu.yield
    }) : () -> ()
    %mul3A_3 = arith.constant 640 : i32
    %mul3A_4 = arith.muli %arg1, %mul3A_3 : i32
    %mul3A_5 = arith.constant 640 : i32
    %mul3A_6 = arith.muli %arg1, %mul3A_5 : i32
    "tpu.region"() ({
      %run_scoped3A = tpu.sem_alloc : memref<!tpu.dma_semaphore, #tpu.memory_space<semaphore_mem>>
      %dma_start3A_36 = arith.constant 0 : i32
      %dma_start3A_37 = tpu.memref_slice %arg11[%mul3A_6, %dma_start3A_36] : memref<10240x128xf32, #tpu.memory_space<vmem_shared>> -> memref<640x128xf32, #tpu.memory_space<vmem_shared>>
      %dma_start3A_38 = arith.constant 0 : i32
      %dma_start3A_39 = tpu.memref_slice %arg4[%mul3A_4, %dma_start3A_38] : memref<10240x128xf32, #tpu.memory_space<hbm>> -> memref<640x128xf32, #tpu.memory_space<hbm>>
      tpu.enqueue_dma source(%dma_start3A_39 : memref<640x128xf32, #tpu.memory_space<hbm>>) target(%dma_start3A_37 : memref<640x128xf32, #tpu.memory_space<vmem_shared>>) target_semaphore(%run_scoped3A : memref<!tpu.dma_semaphore, #tpu.memory_space<semaphore_mem>>)
      %dma_wait3A = arith.constant 0 : i32
      %dma_wait3A_40 = tpu.memref_slice %arg11[%mul3A_6, %dma_wait3A] : memref<10240x128xf32, #tpu.memory_space<vmem_shared>> -> memref<640x128xf32, #tpu.memory_space<vmem_shared>>
      %dma_wait3A_41 = arith.constant 0 : i32
      %dma_wait3A_42 = tpu.memref_slice %arg4[%mul3A_4, %dma_wait3A_41] : memref<10240x128xf32, #tpu.memory_space<hbm>> -> memref<640x128xf32, #tpu.memory_space<hbm>>
      tpu.wait_dma2 semaphore(%run_scoped3A : memref<!tpu.dma_semaphore, #tpu.memory_space<semaphore_mem>>) src(%dma_wait3A_42 : memref<640x128xf32, #tpu.memory_space<hbm>>) dst(%dma_wait3A_40 : memref<640x128xf32, #tpu.memory_space<vmem_shared>>)
      tpu.yield
    }) : () -> ()
    %barrier3A = arith.constant 0 : index
    tpu.barrier barrier_id(%barrier3A)
    %add3A_7 = arith.constant 0 : i32
    %add3A_8 = arith.addi %mul3A_2, %add3A_7 : i32
    %dma_start3A = tpu.memref_slice %arg2[%add3A_8] : memref<327680xi32, #tpu.memory_space<hbm>> -> memref<128xi32, #tpu.memory_space<hbm>>
    %dma_start3A_9 = tpu.memref_slice %arg2[%add3A_8] : memref<327680xi32, #tpu.memory_space<hbm>> -> memref<128xi32, #tpu.memory_space<hbm>>
    tpu.enqueue_dma source(%dma_start3A_9 : memref<128xi32, #tpu.memory_space<hbm>>) target(%arg6 : memref<128xi32, #tpu.memory_space<vmem>>) target_semaphore(%arg12 : memref<!tpu.dma_semaphore, #tpu.memory_space<semaphore_mem>>)
    %add3A_10 = arith.constant 128 : i32
    %add3A_11 = arith.addi %mul3A_2, %add3A_10 : i32
    %dma_start3A_12 = tpu.memref_slice %arg2[%add3A_11] : memref<327680xi32, #tpu.memory_space<hbm>> -> memref<128xi32, #tpu.memory_space<hbm>>
    %dma_start3A_13 = tpu.memref_slice %arg2[%add3A_11] : memref<327680xi32, #tpu.memory_space<hbm>> -> memref<128xi32, #tpu.memory_space<hbm>>
    tpu.enqueue_dma source(%dma_start3A_13 : memref<128xi32, #tpu.memory_space<hbm>>) target(%arg7 : memref<128xi32, #tpu.memory_space<vmem>>) target_semaphore(%arg13 : memref<!tpu.dma_semaphore, #tpu.memory_space<semaphore_mem>>)
    %add3A_14 = arith.constant 256 : i32
    %add3A_15 = arith.addi %mul3A_2, %add3A_14 : i32
    %dma_start3A_16 = tpu.memref_slice %arg2[%add3A_15] : memref<327680xi32, #tpu.memory_space<hbm>> -> memref<128xi32, #tpu.memory_space<hbm>>
    %dma_start3A_17 = tpu.memref_slice %arg2[%add3A_15] : memref<327680xi32, #tpu.memory_space<hbm>> -> memref<128xi32, #tpu.memory_space<hbm>>
    tpu.enqueue_dma source(%dma_start3A_17 : memref<128xi32, #tpu.memory_space<hbm>>) target(%arg8 : memref<128xi32, #tpu.memory_space<vmem>>) target_semaphore(%arg14 : memref<!tpu.dma_semaphore, #tpu.memory_space<semaphore_mem>>)
    %add3A_18 = arith.constant 384 : i32
    %add3A_19 = arith.addi %mul3A_2, %add3A_18 : i32
    %dma_start3A_20 = tpu.memref_slice %arg2[%add3A_19] : memref<327680xi32, #tpu.memory_space<hbm>> -> memref<128xi32, #tpu.memory_space<hbm>>
    %dma_start3A_21 = tpu.memref_slice %arg2[%add3A_19] : memref<327680xi32, #tpu.memory_space<hbm>> -> memref<128xi32, #tpu.memory_space<hbm>>
    tpu.enqueue_dma source(%dma_start3A_21 : memref<128xi32, #tpu.memory_space<hbm>>) target(%arg9 : memref<128xi32, #tpu.memory_space<vmem>>) target_semaphore(%arg15 : memref<!tpu.dma_semaphore, #tpu.memory_space<semaphore_mem>>)
    %scan3A = arith.constant 0 : i32
    %scan3A_22 = arith.constant 0 : i32
    %scan3A_23 = arith.constant 20 : i32
    %scan3A_24 = arith.addi %scan3A_22, %scan3A_23 : i32
    %scan3A_25 = arith.constant 1 : i32
    %scan3A_26 = scf.for %scan3A_36 = %scan3A_22 to %scan3A_24 step %scan3A_25 iter_args(%scan3A_37 = %scan3A) -> (i32)  : i32 {
      %mul3A_38 = arith.constant 4 : i32
      %mul3A_39 = arith.muli %mul3A_38, %scan3A_36 : i32
      %lt3A = arith.constant 19 : i32
      %lt3A_40 = arith.cmpi slt, %scan3A_36, %lt3A : i32
      %add3A_41 = arith.constant 0 : i32
      %add3A_42 = arith.addi %mul3A_39, %add3A_41 : i32
      %mul3A_43 = arith.constant 128 : i32
      %mul3A_44 = arith.muli %add3A_42, %mul3A_43 : i32
      %add3A_45 = arith.addi %mul3A_2, %mul3A_44 : i32
      %dma_wait3A = tpu.memref_slice %arg2[%add3A_45] : memref<327680xi32, #tpu.memory_space<hbm>> -> memref<128xi32, #tpu.memory_space<hbm>>
      %dma_wait3A_46 = tpu.memref_slice %arg2[%add3A_45] : memref<327680xi32, #tpu.memory_space<hbm>> -> memref<128xi32, #tpu.memory_space<hbm>>
      tpu.wait_dma2 semaphore(%arg12 : memref<!tpu.dma_semaphore, #tpu.memory_space<semaphore_mem>>) src(%dma_wait3A_46 : memref<128xi32, #tpu.memory_space<hbm>>) dst(%arg6 : memref<128xi32, #tpu.memory_space<vmem>>)
      "tpu.region"() ({
        %run_scoped3A = tpu.sem_alloc : memref<!tpu.dma_semaphore, #tpu.memory_space<semaphore_mem>>
        %dma_start3A_79 = arith.constant 0 : i32
        %dma_start3A_80 = arith.constant 0 : i32
        %dma_start3A_81 = tpu.memref_slice %arg11[%dma_start3A_79, %dma_start3A_80] : memref<10240x128xf32, #tpu.memory_space<vmem_shared>> -> memref<10240x128xf32, #tpu.memory_space<vmem_shared>>
        tpu.enqueue_indirect_dma source(%arg10 : memref<128x128xf32, #tpu.memory_space<vmem>>) target(%dma_start3A_81 : memref<10240x128xf32, #tpu.memory_space<vmem_shared>>) offsets(%arg6 : memref<128xi32, #tpu.memory_space<vmem>>) semaphore(%run_scoped3A : memref<!tpu.dma_semaphore, #tpu.memory_space<semaphore_mem>>) {add = true}
        %dma_wait3A_82 = arith.constant 0 : i32
        %dma_wait3A_83 = arith.constant 0 : i32
        %dma_wait3A_84 = tpu.memref_slice %arg11[%dma_wait3A_82, %dma_wait3A_83] : memref<10240x128xf32, #tpu.memory_space<vmem_shared>> -> memref<10240x128xf32, #tpu.memory_space<vmem_shared>>
        tpu.wait_indirect_dma semaphore(%run_scoped3A : memref<!tpu.dma_semaphore, #tpu.memory_space<semaphore_mem>>) src(%arg10 : memref<128x128xf32, #tpu.memory_space<vmem>>) dst(%dma_wait3A_84 : memref<10240x128xf32, #tpu.memory_space<vmem_shared>>)
        tpu.yield
      }) : () -> ()
      %convert_element_type3A = arith.extui %lt3A_40 : i1 to i32
      %cond3A = arith.constant 0 : i32
      %cond3A_47 = arith.cmpi ne, %convert_element_type3A, %cond3A : i32
      scf.if %cond3A_47 {
        %add3A_79 = arith.constant 4 : i32
        %add3A_80 = arith.addi %mul3A_39, %add3A_79 : i32
        %add3A_81 = arith.constant 0 : i32
        %add3A_82 = arith.addi %add3A_80, %add3A_81 : i32
        %mul3A_83 = arith.constant 128 : i32
        %mul3A_84 = arith.muli %add3A_82, %mul3A_83 : i32
        %add3A_85 = arith.addi %mul3A_2, %mul3A_84 : i32
        %dma_start3A_86 = tpu.memref_slice %arg2[%add3A_85] : memref<327680xi32, #tpu.memory_space<hbm>> -> memref<128xi32, #tpu.memory_space<hbm>>
        %dma_start3A_87 = tpu.memref_slice %arg2[%add3A_85] : memref<327680xi32, #tpu.memory_space<hbm>> -> memref<128xi32, #tpu.memory_space<hbm>>
        tpu.enqueue_dma source(%dma_start3A_87 : memref<128xi32, #tpu.memory_space<hbm>>) target(%arg6 : memref<128xi32, #tpu.memory_space<vmem>>) target_semaphore(%arg12 : memref<!tpu.dma_semaphore, #tpu.memory_space<semaphore_mem>>)
      } else {
      }
      %add3A_48 = arith.constant 1 : i32
      %add3A_49 = arith.addi %mul3A_39, %add3A_48 : i32
      %mul3A_50 = arith.constant 128 : i32
      %mul3A_51 = arith.muli %add3A_49, %mul3A_50 : i32
      %add3A_52 = arith.addi %mul3A_2, %mul3A_51 : i32
      %dma_wait3A_53 = tpu.memref_slice %arg2[%add3A_52] : memref<327680xi32, #tpu.memory_space<hbm>> -> memref<128xi32, #tpu.memory_space<hbm>>
      %dma_wait3A_54 = tpu.memref_slice %arg2[%add3A_52] : memref<327680xi32, #tpu.memory_space<hbm>> -> memref<128xi32, #tpu.memory_space<hbm>>
      tpu.wait_dma2 semaphore(%arg13 : memref<!tpu.dma_semaphore, #tpu.memory_space<semaphore_mem>>) src(%dma_wait3A_54 : memref<128xi32, #tpu.memory_space<hbm>>) dst(%arg7 : memref<128xi32, #tpu.memory_space<vmem>>)
      "tpu.region"() ({
        %run_scoped3A = tpu.sem_alloc : memref<!tpu.dma_semaphore, #tpu.memory_space<semaphore_mem>>
        %dma_start3A_79 = arith.constant 0 : i32
        %dma_start3A_80 = arith.constant 0 : i32
        %dma_start3A_81 = tpu.memref_slice %arg11[%dma_start3A_79, %dma_start3A_80] : memref<10240x128xf32, #tpu.memory_space<vmem_shared>> -> memref<10240x128xf32, #tpu.memory_space<vmem_shared>>
        tpu.enqueue_indirect_dma source(%arg10 : memref<128x128xf32, #tpu.memory_space<vmem>>) target(%dma_start3A_81 : memref<10240x128xf32, #tpu.memory_space<vmem_shared>>) offsets(%arg7 : memref<128xi32, #tpu.memory_space<vmem>>) semaphore(%run_scoped3A : memref<!tpu.dma_semaphore, #tpu.memory_space<semaphore_mem>>) {add = true}
        %dma_wait3A_82 = arith.constant 0 : i32
        %dma_wait3A_83 = arith.constant 0 : i32
        %dma_wait3A_84 = tpu.memref_slice %arg11[%dma_wait3A_82, %dma_wait3A_83] : memref<10240x128xf32, #tpu.memory_space<vmem_shared>> -> memref<10240x128xf32, #tpu.memory_space<vmem_shared>>
        tpu.wait_indirect_dma semaphore(%run_scoped3A : memref<!tpu.dma_semaphore, #tpu.memory_space<semaphore_mem>>) src(%arg10 : memref<128x128xf32, #tpu.memory_space<vmem>>) dst(%dma_wait3A_84 : memref<10240x128xf32, #tpu.memory_space<vmem_shared>>)
        tpu.yield
      }) : () -> ()
      %convert_element_type3A_55 = arith.extui %lt3A_40 : i1 to i32
      %cond3A_56 = arith.constant 0 : i32
      %cond3A_57 = arith.cmpi ne, %convert_element_type3A_55, %cond3A_56 : i32
      scf.if %cond3A_57 {
        %add3A_79 = arith.constant 4 : i32
        %add3A_80 = arith.addi %mul3A_39, %add3A_79 : i32
        %add3A_81 = arith.constant 1 : i32
        %add3A_82 = arith.addi %add3A_80, %add3A_81 : i32
        %mul3A_83 = arith.constant 128 : i32
        %mul3A_84 = arith.muli %add3A_82, %mul3A_83 : i32
        %add3A_85 = arith.addi %mul3A_2, %mul3A_84 : i32
        %dma_start3A_86 = tpu.memref_slice %arg2[%add3A_85] : memref<327680xi32, #tpu.memory_space<hbm>> -> memref<128xi32, #tpu.memory_space<hbm>>
        %dma_start3A_87 = tpu.memref_slice %arg2[%add3A_85] : memref<327680xi32, #tpu.memory_space<hbm>> -> memref<128xi32, #tpu.memory_space<hbm>>
        tpu.enqueue_dma source(%dma_start3A_87 : memref<128xi32, #tpu.memory_space<hbm>>) target(%arg7 : memref<128xi32, #tpu.memory_space<vmem>>) target_semaphore(%arg13 : memref<!tpu.dma_semaphore, #tpu.memory_space<semaphore_mem>>)
      } else {
      }
      %add3A_58 = arith.constant 2 : i32
      %add3A_59 = arith.addi %mul3A_39, %add3A_58 : i32
      %mul3A_60 = arith.constant 128 : i32
      %mul3A_61 = arith.muli %add3A_59, %mul3A_60 : i32
      %add3A_62 = arith.addi %mul3A_2, %mul3A_61 : i32
      %dma_wait3A_63 = tpu.memref_slice %arg2[%add3A_62] : memref<327680xi32, #tpu.memory_space<hbm>> -> memref<128xi32, #tpu.memory_space<hbm>>
      %dma_wait3A_64 = tpu.memref_slice %arg2[%add3A_62] : memref<327680xi32, #tpu.memory_space<hbm>> -> memref<128xi32, #tpu.memory_space<hbm>>
      tpu.wait_dma2 semaphore(%arg14 : memref<!tpu.dma_semaphore, #tpu.memory_space<semaphore_mem>>) src(%dma_wait3A_64 : memref<128xi32, #tpu.memory_space<hbm>>) dst(%arg8 : memref<128xi32, #tpu.memory_space<vmem>>)
      "tpu.region"() ({
        %run_scoped3A = tpu.sem_alloc : memref<!tpu.dma_semaphore, #tpu.memory_space<semaphore_mem>>
        %dma_start3A_79 = arith.constant 0 : i32
        %dma_start3A_80 = arith.constant 0 : i32
        %dma_start3A_81 = tpu.memref_slice %arg11[%dma_start3A_79, %dma_start3A_80] : memref<10240x128xf32, #tpu.memory_space<vmem_shared>> -> memref<10240x128xf32, #tpu.memory_space<vmem_shared>>
        tpu.enqueue_indirect_dma source(%arg10 : memref<128x128xf32, #tpu.memory_space<vmem>>) target(%dma_start3A_81 : memref<10240x128xf32, #tpu.memory_space<vmem_shared>>) offsets(%arg8 : memref<128xi32, #tpu.memory_space<vmem>>) semaphore(%run_scoped3A : memref<!tpu.dma_semaphore, #tpu.memory_space<semaphore_mem>>) {add = true}
        %dma_wait3A_82 = arith.constant 0 : i32
        %dma_wait3A_83 = arith.constant 0 : i32
        %dma_wait3A_84 = tpu.memref_slice %arg11[%dma_wait3A_82, %dma_wait3A_83] : memref<10240x128xf32, #tpu.memory_space<vmem_shared>> -> memref<10240x128xf32, #tpu.memory_space<vmem_shared>>
        tpu.wait_indirect_dma semaphore(%run_scoped3A : memref<!tpu.dma_semaphore, #tpu.memory_space<semaphore_mem>>) src(%arg10 : memref<128x128xf32, #tpu.memory_space<vmem>>) dst(%dma_wait3A_84 : memref<10240x128xf32, #tpu.memory_space<vmem_shared>>)
        tpu.yield
      }) : () -> ()
      %convert_element_type3A_65 = arith.extui %lt3A_40 : i1 to i32
      %cond3A_66 = arith.constant 0 : i32
      %cond3A_67 = arith.cmpi ne, %convert_element_type3A_65, %cond3A_66 : i32
      scf.if %cond3A_67 {
        %add3A_79 = arith.constant 4 : i32
        %add3A_80 = arith.addi %mul3A_39, %add3A_79 : i32
        %add3A_81 = arith.constant 2 : i32
        %add3A_82 = arith.addi %add3A_80, %add3A_81 : i32
        %mul3A_83 = arith.constant 128 : i32
        %mul3A_84 = arith.muli %add3A_82, %mul3A_83 : i32
        %add3A_85 = arith.addi %mul3A_2, %mul3A_84 : i32
        %dma_start3A_86 = tpu.memref_slice %arg2[%add3A_85] : memref<327680xi32, #tpu.memory_space<hbm>> -> memref<128xi32, #tpu.memory_space<hbm>>
        %dma_start3A_87 = tpu.memref_slice %arg2[%add3A_85] : memref<327680xi32, #tpu.memory_space<hbm>> -> memref<128xi32, #tpu.memory_space<hbm>>
        tpu.enqueue_dma source(%dma_start3A_87 : memref<128xi32, #tpu.memory_space<hbm>>) target(%arg8 : memref<128xi32, #tpu.memory_space<vmem>>) target_semaphore(%arg14 : memref<!tpu.dma_semaphore, #tpu.memory_space<semaphore_mem>>)
      } else {
      }
      %add3A_68 = arith.constant 3 : i32
      %add3A_69 = arith.addi %mul3A_39, %add3A_68 : i32
      %mul3A_70 = arith.constant 128 : i32
      %mul3A_71 = arith.muli %add3A_69, %mul3A_70 : i32
      %add3A_72 = arith.addi %mul3A_2, %mul3A_71 : i32
      %dma_wait3A_73 = tpu.memref_slice %arg2[%add3A_72] : memref<327680xi32, #tpu.memory_space<hbm>> -> memref<128xi32, #tpu.memory_space<hbm>>
      %dma_wait3A_74 = tpu.memref_slice %arg2[%add3A_72] : memref<327680xi32, #tpu.memory_space<hbm>> -> memref<128xi32, #tpu.memory_space<hbm>>
      tpu.wait_dma2 semaphore(%arg15 : memref<!tpu.dma_semaphore, #tpu.memory_space<semaphore_mem>>) src(%dma_wait3A_74 : memref<128xi32, #tpu.memory_space<hbm>>) dst(%arg9 : memref<128xi32, #tpu.memory_space<vmem>>)
      "tpu.region"() ({
        %run_scoped3A = tpu.sem_alloc : memref<!tpu.dma_semaphore, #tpu.memory_space<semaphore_mem>>
        %dma_start3A_79 = arith.constant 0 : i32
        %dma_start3A_80 = arith.constant 0 : i32
        %dma_start3A_81 = tpu.memref_slice %arg11[%dma_start3A_79, %dma_start3A_80] : memref<10240x128xf32, #tpu.memory_space<vmem_shared>> -> memref<10240x128xf32, #tpu.memory_space<vmem_shared>>
        tpu.enqueue_indirect_dma source(%arg10 : memref<128x128xf32, #tpu.memory_space<vmem>>) target(%dma_start3A_81 : memref<10240x128xf32, #tpu.memory_space<vmem_shared>>) offsets(%arg9 : memref<128xi32, #tpu.memory_space<vmem>>) semaphore(%run_scoped3A : memref<!tpu.dma_semaphore, #tpu.memory_space<semaphore_mem>>) {add = true}
        %dma_wait3A_82 = arith.constant 0 : i32
        %dma_wait3A_83 = arith.constant 0 : i32
        %dma_wait3A_84 = tpu.memref_slice %arg11[%dma_wait3A_82, %dma_wait3A_83] : memref<10240x128xf32, #tpu.memory_space<vmem_shared>> -> memref<10240x128xf32, #tpu.memory_space<vmem_shared>>
        tpu.wait_indirect_dma semaphore(%run_scoped3A : memref<!tpu.dma_semaphore, #tpu.memory_space<semaphore_mem>>) src(%arg10 : memref<128x128xf32, #tpu.memory_space<vmem>>) dst(%dma_wait3A_84 : memref<10240x128xf32, #tpu.memory_space<vmem_shared>>)
        tpu.yield
      }) : () -> ()
      %convert_element_type3A_75 = arith.extui %lt3A_40 : i1 to i32
      %cond3A_76 = arith.constant 0 : i32
      %cond3A_77 = arith.cmpi ne, %convert_element_type3A_75, %cond3A_76 : i32
      scf.if %cond3A_77 {
        %add3A_79 = arith.constant 4 : i32
        %add3A_80 = arith.addi %mul3A_39, %add3A_79 : i32
        %add3A_81 = arith.constant 3 : i32
        %add3A_82 = arith.addi %add3A_80, %add3A_81 : i32
        %mul3A_83 = arith.constant 128 : i32
        %mul3A_84 = arith.muli %add3A_82, %mul3A_83 : i32
        %add3A_85 = arith.addi %mul3A_2, %mul3A_84 : i32
        %dma_start3A_86 = tpu.memref_slice %arg2[%add3A_85] : memref<327680xi32, #tpu.memory_space<hbm>> -> memref<128xi32, #tpu.memory_space<hbm>>
        %dma_start3A_87 = tpu.memref_slice %arg2[%add3A_85] : memref<327680xi32, #tpu.memory_space<hbm>> -> memref<128xi32, #tpu.memory_space<hbm>>
        tpu.enqueue_dma source(%dma_start3A_87 : memref<128xi32, #tpu.memory_space<hbm>>) target(%arg9 : memref<128xi32, #tpu.memory_space<vmem>>) target_semaphore(%arg15 : memref<!tpu.dma_semaphore, #tpu.memory_space<semaphore_mem>>)
      } else {
      }
      %scan3A_78 = arith.constant 0 : i32
      scf.yield %scan3A_78 : i32
    }
    %scan3A_27 = arith.constant 20 : i32
    %barrier3A_28 = arith.constant 0 : index
    tpu.barrier barrier_id(%barrier3A_28)
    %mul3A_29 = arith.constant 640 : i32
    %mul3A_30 = arith.muli %arg1, %mul3A_29 : i32
    %mul3A_31 = arith.constant 10240 : i32
    %mul3A_32 = arith.muli %arg0, %mul3A_31 : i32
    %mul3A_33 = arith.constant 640 : i32
    %mul3A_34 = arith.muli %arg1, %mul3A_33 : i32
    %add3A_35 = arith.addi %mul3A_32, %mul3A_34 : i32
    "tpu.region"() ({
      %run_scoped3A = tpu.sem_alloc : memref<!tpu.dma_semaphore, #tpu.memory_space<semaphore_mem>>
      %dma_start3A_36 = arith.constant 0 : i32
      %dma_start3A_37 = tpu.memref_slice %arg5[%add3A_35, %dma_start3A_36] : memref<20480x128xf32, #tpu.memory_space<hbm>> -> memref<640x128xf32, #tpu.memory_space<hbm>>
      %dma_start3A_38 = arith.constant 0 : i32
      %dma_start3A_39 = tpu.memref_slice %arg11[%mul3A_30, %dma_start3A_38] : memref<10240x128xf32, #tpu.memory_space<vmem_shared>> -> memref<640x128xf32, #tpu.memory_space<vmem_shared>>
      tpu.enqueue_dma source(%dma_start3A_39 : memref<640x128xf32, #tpu.memory_space<vmem_shared>>) target(%dma_start3A_37 : memref<640x128xf32, #tpu.memory_space<hbm>>) target_semaphore(%run_scoped3A : memref<!tpu.dma_semaphore, #tpu.memory_space<semaphore_mem>>)
      %dma_wait3A = arith.constant 0 : i32
      %dma_wait3A_40 = tpu.memref_slice %arg5[%add3A_35, %dma_wait3A] : memref<20480x128xf32, #tpu.memory_space<hbm>> -> memref<640x128xf32, #tpu.memory_space<hbm>>
      %dma_wait3A_41 = arith.constant 0 : i32
      %dma_wait3A_42 = tpu.memref_slice %arg11[%mul3A_30, %dma_wait3A_41] : memref<10240x128xf32, #tpu.memory_space<vmem_shared>> -> memref<640x128xf32, #tpu.memory_space<vmem_shared>>
      tpu.wait_dma2 semaphore(%run_scoped3A : memref<!tpu.dma_semaphore, #tpu.memory_space<semaphore_mem>>) src(%dma_wait3A_42 : memref<640x128xf32, #tpu.memory_space<vmem_shared>>) dst(%dma_wait3A_40 : memref<640x128xf32, #tpu.memory_space<hbm>>)
      tpu.yield
    }) : () -> ()
    return
  }
}

module attributes {stable_mosaic.version = 14 : i64} {
  func.func @_mlp_body(%arg0: i32, %arg1: memref<1024x128xf32, #tpu.memory_space<vmem>>, %arg2: memref<128x128xf32, #tpu.memory_space<vmem>>, %arg3: memref<1x128xf32, #tpu.memory_space<vmem>>, %arg4: memref<128x128xf32, #tpu.memory_space<vmem>>, %arg5: memref<1x128xf32, #tpu.memory_space<vmem>>, %arg6: memref<1024x128xf32, #tpu.memory_space<vmem>>) attributes {dimension_semantics = [#tpu.dimension_semantics<arbitrary>], iteration_bounds = array<i64: 10>, scalar_prefetch = 0 : i64, scratch_operands = 0 : i64, tpu.core_type = #tpu.core_type<tc>, window_params = [{transform_indices = @transform_0, window_bounds = array<i64: 1024, 128>}, {pipeline_mode = #tpu.pipeline_mode<synchronous>, transform_indices = @transform_1, window_bounds = array<i64: 128, 128>}, {pipeline_mode = #tpu.pipeline_mode<synchronous>, transform_indices = @transform_2, window_bounds = array<i64: 1, 128>}, {pipeline_mode = #tpu.pipeline_mode<synchronous>, transform_indices = @transform_3, window_bounds = array<i64: 128, 128>}, {pipeline_mode = #tpu.pipeline_mode<synchronous>, transform_indices = @transform_4, window_bounds = array<i64: 1, 128>}, {transform_indices = @transform_5, window_bounds = array<i64: 1024, 128>}]} {
    %get3A = arith.constant 0 : index
    %get3A_0 = arith.constant 0 : index
    %get3A_1 = vector.load %arg1[%get3A, %get3A_0] : memref<1024x128xf32, #tpu.memory_space<vmem>>, vector<1024x128xf32>
    %get3A_2 = arith.constant 0 : index
    %get3A_3 = arith.constant 0 : index
    %get3A_4 = vector.load %arg2[%get3A_2, %get3A_3] : memref<128x128xf32, #tpu.memory_space<vmem>>, vector<128x128xf32>
    %dot_general3A = arith.constant dense<0.000000e+00> : vector<1024x128xf32>
    %dot_general3A_5 = tpu.matmul %get3A_1, %get3A_4, %dot_general3A {dimension_numbers = #tpu.dot_dimension_numbers<[1], [0], [0], [1], [0, 0, 1, 1], [], []>, transpose_lhs_hint = false} : vector<1024x128xf32>, vector<128x128xf32>, vector<1024x128xf32> -> vector<1024x128xf32>
    %get3A_6 = arith.constant 0 : index
    %get3A_7 = arith.constant 0 : index
    %get3A_8 = vector.load %arg3[%get3A_6, %get3A_7] : memref<1x128xf32, #tpu.memory_space<vmem>>, vector<1x128xf32>
    %add3A = vector.broadcast %get3A_8 : vector<1x128xf32> to vector<1024x128xf32>
    %add3A_9 = arith.addf %dot_general3A_5, %add3A : vector<1024x128xf32>
    %max3A = arith.constant 0.000000e+00 : f32
    %max3A_10 = vector.broadcast %max3A : f32 to vector<1024x128xf32>
    %max3A_11 = arith.maximumf %add3A_9, %max3A_10 : vector<1024x128xf32>
    %get3A_12 = arith.constant 0 : index
    %get3A_13 = arith.constant 0 : index
    %get3A_14 = vector.load %arg4[%get3A_12, %get3A_13] : memref<128x128xf32, #tpu.memory_space<vmem>>, vector<128x128xf32>
    %dot_general3A_15 = arith.constant dense<0.000000e+00> : vector<1024x128xf32>
    %dot_general3A_16 = tpu.matmul %max3A_11, %get3A_14, %dot_general3A_15 {dimension_numbers = #tpu.dot_dimension_numbers<[1], [0], [0], [1], [0, 0, 1, 1], [], []>, transpose_lhs_hint = false} : vector<1024x128xf32>, vector<128x128xf32>, vector<1024x128xf32> -> vector<1024x128xf32>
    %get3A_17 = arith.constant 0 : index
    %get3A_18 = arith.constant 0 : index
    %get3A_19 = vector.load %arg5[%get3A_17, %get3A_18] : memref<1x128xf32, #tpu.memory_space<vmem>>, vector<1x128xf32>
    %add3A_20 = vector.broadcast %get3A_19 : vector<1x128xf32> to vector<1024x128xf32>
    %add3A_21 = arith.addf %dot_general3A_16, %add3A_20 : vector<1024x128xf32>
    %swap3A = arith.constant 0 : index
    %swap3A_22 = arith.constant 0 : index
    %swap3A_23 = vector.load %arg6[%swap3A, %swap3A_22] : memref<1024x128xf32, #tpu.memory_space<vmem>>, vector<1024x128xf32>
    tpu.vector_store %arg6[%swap3A, %swap3A_22], %add3A_21 {strides = array<i32>} : memref<1024x128xf32, #tpu.memory_space<vmem>>, vector<1024x128xf32>,
    return
  }
  func.func @transform_0(%arg0: i32) -> (i32, i32) {
    %c0_i32 = arith.constant 0 : i32
    %c0_i32_0 = arith.constant 0 : i32
    return %arg0, %c0_i32 : i32, i32
  }
  func.func @transform_1(%arg0: i32) -> (i32, i32) {
    %c0_i32 = arith.constant 0 : i32
    %c0_i32_0 = arith.constant 0 : i32
    %c0_i32_1 = arith.constant 0 : i32
    return %c0_i32, %c0_i32_0 : i32, i32
  }
  func.func @transform_2(%arg0: i32) -> (i32, i32) {
    %c0_i32 = arith.constant 0 : i32
    %c0_i32_0 = arith.constant 0 : i32
    %c0_i32_1 = arith.constant 0 : i32
    return %c0_i32, %c0_i32_0 : i32, i32
  }
  func.func @transform_3(%arg0: i32) -> (i32, i32) {
    %c0_i32 = arith.constant 0 : i32
    %c0_i32_0 = arith.constant 0 : i32
    %c0_i32_1 = arith.constant 0 : i32
    return %c0_i32, %c0_i32_0 : i32, i32
  }
  func.func @transform_4(%arg0: i32) -> (i32, i32) {
    %c0_i32 = arith.constant 0 : i32
    %c0_i32_0 = arith.constant 0 : i32
    %c0_i32_1 = arith.constant 0 : i32
    return %c0_i32, %c0_i32_0 : i32, i32
  }
  func.func @transform_5(%arg0: i32) -> (i32, i32) {
    %c0_i32 = arith.constant 0 : i32
    %c0_i32_0 = arith.constant 0 : i32
    return %arg0, %c0_i32 : i32, i32
  }
}

module attributes {stable_mosaic.version = 14 : i64} {
  func.func @_comm_body(%arg0: i32, %arg1: memref<1024x128xf32, #tpu.memory_space<vmem>>, %arg2: memref<2x1024x128xf32, #tpu.memory_space<vmem>>, %arg3: memref<2x1024x128xf32, #tpu.memory_space<vmem>>, %arg4: memref<128x128xf32, #tpu.memory_space<vmem>>, %arg5: memref<1x128xf32, #tpu.memory_space<vmem>>, %arg6: memref<1024x128xf32, #tpu.memory_space<vmem>>) attributes {dimension_semantics = [#tpu.dimension_semantics<arbitrary>], iteration_bounds = array<i64: 10>, scalar_prefetch = 0 : i64, scratch_operands = 0 : i64, tpu.core_type = #tpu.core_type<tc>, window_params = [{transform_indices = @transform_0, window_bounds = array<i64: 1024, 128>}, {transform_indices = @transform_1, window_bounds = array<i64: 2, 1024, 128>}, {transform_indices = @transform_2, window_bounds = array<i64: 2, 1024, 128>}, {pipeline_mode = #tpu.pipeline_mode<synchronous>, transform_indices = @transform_3, window_bounds = array<i64: 128, 128>}, {pipeline_mode = #tpu.pipeline_mode<synchronous>, transform_indices = @transform_4, window_bounds = array<i64: 1, 128>}, {transform_indices = @transform_5, window_bounds = array<i64: 1024, 128>}]} {
    %get3A = arith.constant 0 : index
    %get3A_0 = arith.constant 0 : index
    %get3A_1 = arith.constant 0 : index
    %get3A_2 = vector.load %arg3[%get3A, %get3A_0, %get3A_1] : memref<2x1024x128xf32, #tpu.memory_space<vmem>>, vector<1x1024x1xf32>
    %get3A_3 = vector.shape_cast %get3A_2 : vector<1x1024x1xf32> to vector<1024x1xf32>
    %get3A_4 = arith.constant 1 : index
    %get3A_5 = arith.constant 0 : index
    %get3A_6 = arith.constant 0 : index
    %get3A_7 = vector.load %arg3[%get3A_4, %get3A_5, %get3A_6] : memref<2x1024x128xf32, #tpu.memory_space<vmem>>, vector<1x1024x1xf32>
    %get3A_8 = vector.shape_cast %get3A_7 : vector<1x1024x1xf32> to vector<1024x1xf32>
    %add3A = arith.addf %get3A_3, %get3A_8 : vector<1024x1xf32>
    %get3A_9 = arith.constant 0 : index
    %get3A_10 = arith.constant 0 : index
    %get3A_11 = arith.constant 0 : index
    %get3A_12 = vector.load %arg2[%get3A_9, %get3A_10, %get3A_11] : memref<2x1024x128xf32, #tpu.memory_space<vmem>>, vector<1x1024x128xf32>
    %get3A_13 = vector.shape_cast %get3A_12 : vector<1x1024x128xf32> to vector<1024x128xf32>
    %get3A_14 = arith.constant 1 : index
    %get3A_15 = arith.constant 0 : index
    %get3A_16 = arith.constant 0 : index
    %get3A_17 = vector.load %arg2[%get3A_14, %get3A_15, %get3A_16] : memref<2x1024x128xf32, #tpu.memory_space<vmem>>, vector<1x1024x128xf32>
    %get3A_18 = vector.shape_cast %get3A_17 : vector<1x1024x128xf32> to vector<1024x128xf32>
    %add3A_19 = arith.addf %get3A_13, %get3A_18 : vector<1024x128xf32>
    %max3A = arith.constant 1.000000e+00 : f32
    %max3A_20 = vector.broadcast %max3A : f32 to vector<1024x1xf32>
    %max3A_21 = arith.maximumf %add3A, %max3A_20 : vector<1024x1xf32>
    %div3A = vector.broadcast %max3A_21 : vector<1024x1xf32> to vector<1024x128xf32>
    %div3A_22 = arith.divf %add3A_19, %div3A : vector<1024x128xf32>
    %get3A_23 = arith.constant 0 : index
    %get3A_24 = arith.constant 0 : index
    %get3A_25 = vector.load %arg4[%get3A_23, %get3A_24] : memref<128x128xf32, #tpu.memory_space<vmem>>, vector<128x128xf32>
    %dot_general3A = arith.constant dense<0.000000e+00> : vector<1024x128xf32>
    %dot_general3A_26 = tpu.matmul %div3A_22, %get3A_25, %dot_general3A {dimension_numbers = #tpu.dot_dimension_numbers<[1], [0], [0], [1], [0, 0, 1, 1], [], []>, transpose_lhs_hint = false} : vector<1024x128xf32>, vector<128x128xf32>, vector<1024x128xf32> -> vector<1024x128xf32>
    %get3A_27 = arith.constant 0 : index
    %get3A_28 = arith.constant 0 : index
    %get3A_29 = vector.load %arg1[%get3A_27, %get3A_28] : memref<1024x128xf32, #tpu.memory_space<vmem>>, vector<1024x128xf32>
    %get3A_30 = arith.constant 0 : index
    %get3A_31 = arith.constant 0 : index
    %get3A_32 = vector.load %arg5[%get3A_30, %get3A_31] : memref<1x128xf32, #tpu.memory_space<vmem>>, vector<1x128xf32>
    %add3A_33 = vector.broadcast %get3A_32 : vector<1x128xf32> to vector<1024x128xf32>
    %add3A_34 = arith.addf %dot_general3A_26, %add3A_33 : vector<1024x128xf32>
    %max3A_35 = arith.constant 0.000000e+00 : f32
    %max3A_36 = vector.broadcast %max3A_35 : f32 to vector<1024x128xf32>
    %max3A_37 = arith.maximumf %add3A_34, %max3A_36 : vector<1024x128xf32>
    %add3A_38 = arith.addf %get3A_29, %max3A_37 : vector<1024x128xf32>
    %swap3A = arith.constant 0 : index
    %swap3A_39 = arith.constant 0 : index
    %swap3A_40 = vector.load %arg6[%swap3A, %swap3A_39] : memref<1024x128xf32, #tpu.memory_space<vmem>>, vector<1024x128xf32>
    tpu.vector_store %arg6[%swap3A, %swap3A_39], %add3A_38 {strides = array<i32>} : memref<1024x128xf32, #tpu.memory_space<vmem>>, vector<1024x128xf32>,
    return
  }
  func.func @transform_0(%arg0: i32) -> (i32, i32) {
    %c0_i32 = arith.constant 0 : i32
    %c0_i32_0 = arith.constant 0 : i32
    return %arg0, %c0_i32 : i32, i32
  }
  func.func @transform_1(%arg0: i32) -> (i32, i32, i32) {
    %c0_i32 = arith.constant 0 : i32
    %c0_i32_0 = arith.constant 0 : i32
    %c0_i32_1 = arith.constant 0 : i32
    return %c0_i32, %arg0, %c0_i32_0 : i32, i32, i32
  }
  func.func @transform_2(%arg0: i32) -> (i32, i32, i32) {
    %c0_i32 = arith.constant 0 : i32
    %c0_i32_0 = arith.constant 0 : i32
    %c0_i32_1 = arith.constant 0 : i32
    return %c0_i32, %arg0, %c0_i32_0 : i32, i32, i32
  }
  func.func @transform_3(%arg0: i32) -> (i32, i32) {
    %c0_i32 = arith.constant 0 : i32
    %c0_i32_0 = arith.constant 0 : i32
    %c0_i32_1 = arith.constant 0 : i32
    return %c0_i32, %c0_i32_0 : i32, i32
  }
  func.func @transform_4(%arg0: i32) -> (i32, i32) {
    %c0_i32 = arith.constant 0 : i32
    %c0_i32_0 = arith.constant 0 : i32
    %c0_i32_1 = arith.constant 0 : i32
    return %c0_i32, %c0_i32_0 : i32, i32
  }
  func.func @transform_5(%arg0: i32) -> (i32, i32) {
    %c0_i32 = arith.constant 0 : i32
    %c0_i32_0 = arith.constant 0 : i32
    return %arg0, %c0_i32 : i32, i32
  }
}

</mosaic_0001>

<sc_bundles>
// kernel: kernel.12.cloned.1.call-start
scs
__scs_entry_jumppad:
0x0: {  	(pc) =	sbr.rel $0x88, $3  }
0x1: {  	(tag) =	ssettag $0x0;
	lr =	simm.s32 $0x1  }
0x2: {  	[smem:$0x3F93] =	sst lr;
	_ =	strace $0xD0000000  }
0x3: {  	_ = 	snop  }
0x4: {  	_ = 	snop  }
0x5: {  	_ = 	snop  }
0x6: {  	_ = 	snop  }
0x7: {  	_ = 	snop  }
__scs_overlays_trampoline_lowered:
0x8: {  	[smem:$0x3FA2] =	sst s0  }
0x9: {  	[smem:$0x3FA3] =	sst s1  }
0xa: {  	[smem:$0x3FA4] =	sst s2  }
0xb: {  	[smem:$0x3FA5] =	sst s3  }
0xc: {  	[smem:$0x3FA6] =	sst s4  }
0xd: {  	[smem:$0x3FA7] =	sst s5  }
0xe: {  	[smem:$0x3FA8] =	sst s6  }
0xf: {  	[smem:$0x3FA9] =	sst s7  }
0x10: {  	[smem:$0x3FAA] =	sst s8  }
0x11: {  	[smem:$0x3FAB] =	sst s9;
	s0 =	simm.s32 @!p0 $0x0  }
0x12: {  	s1 =	sld [smem:$0x3F91];
	s0 =	simm.s32 @p0 $0x1  }
0x13: {  	[smem:$0x3FAC] =	sst s0;
	s0 =	simm.s32 @!p1 $0x0  }
0x14: {  	s2 =	sld [smem:$0x3F90];
	s0 =	simm.s32 @p1 $0x1  }
0x15: {  	[smem:$0x3FAD] =	sst s0;
	s0 =	simm.s32 @!p2 $0x0  }
0x16: {  	s3 =	sld [smem:$0x3FDB];
	s0 =	simm.s32 @p2 $0x1  }
0x17: {  	s4 =	simm.s32 $0x1BF5;
	[smem:$0x3FAF] =	sst s0  }
0x18: {  	s0 =	sld [smem:$0x3F92];
	_ =	swait.ge [sflag:s4], $0x0  }
0x19: {  	s7 =	sld [smem:$0x3F93]  }
0x1a: {  	s8 =	sadd.s32 $0xFFFFE003, lr  }
0x1b: {  	s9 =	sadd.s32 $0xFFFFFEF7, lr;
	s5 =	simm.s32 $0xFFFFFFFF;
	p2 =	slt.u32 s8, $0xFFFFF086  }
0x1c: {  	p1 =	slt.u32 s9, $0xF7A;
	s5 =	simm.s32 @!p2 $0x0  }
0x1d: {  	s5 =	simm.s32 @p1 $0x1;
	p0 =	seq.s32 s7, s2  }
0x1e: {  	s7 =	smul.u32 @!p0 $0xF7A, s2;
	p2 =	seq.s32 @!p0 s5, $0x0  }
0x1f: {  	s9 =	smul.u32 $0xF7A, s1;
	s8 =	simm.s32 @!p0 $0x1BF5;
	p2 =	por !p2, p0  }
0x20: {  	[sflag:s8] =	ssyncset.s32 @!p0 $0xFFFFF086;
	s6 =	sadd.s32 @!p0 s3, s7;
	s7 =	simm.s32 @!p0 $0x108  }
0x21: {  	s3 =	sadd.s32 s3, s9;
	s6 =	sadd.s32 @!p0 $0x88, s6;
	s7 =	simm.s32 @p2 $0x1082  }
0x22: {  	[simem:s7], [sflag:s8] =	dma.local @!p0 [hbm:s6], $0xF7A  }
0x23: {  	s9 =	sor.u32 $0xD0000000, s2;
	s6 =	simm.s32 $0x108;
	_ =	swait.ge @!p0 [sflag:s8], $0x0  }
0x24: {  	s3 =	sadd.s32 $0x88, s3;
	s6 =	simm.s32 @!p1 $0x1082;
	[sflag:s4] =	ssyncset.s32 $0xFFFFF086  }
0x25: {  	[simem:s6], [sflag:s4] =	dma.local [hbm:s3], $0xF7A  }
0x26: {  	[smem:$0x3F93] =	sst s1;
	(tag) =	ssettag s2;
	_ =	strace s9  }
0x27: {  	s1 =	sld [smem:$0x3FA3]  }
0x28: {  	s2 =	sld [smem:$0x3FA4]  }
0x29: {  	s4 =	sld [smem:$0x3FA6]  }
0x2a: {  	p0 =	seq.s32 s5, $0x0;
	s5 =	sld [smem:$0x3FA7]  }
0x2b: {  	s6 =	sld [smem:$0x3FA8]  }
0x2c: {  	s7 =	sld [smem:$0x3FA9]  }
0x2d: {  	s3 =	simm.s32 $0x108;
	s8 =	sld [smem:$0x3FAA]  }
0x2e: {  	s3 =	simm.s32 @!p0 $0x1082;
	s9 =	sld [smem:$0x3FAB]  }
0x2f: {  	lr =	sadd.s32 s0, s3;
	s0 =	sld [smem:$0x3FA2]  }
0x30: {  	s3 =	sld [smem:$0x3FA5]  }
0x31: {  	[smem:$0x3FAE] =	sst s10  }
0x32: {  	s10 =	sld [smem:$0x3FAC];
	_ =	sdelay $0x3  }
0x33: {  	p0 =	seq.s32 s10, $0x1;
	s10 =	sld [smem:$0x3FAE];
	_ =	sdelay $0x3  }
0x34: {  	[smem:$0x3FAE] =	sst s10  }
0x35: {  	s10 =	sld [smem:$0x3FAD];
	_ =	sdelay $0x3  }
0x36: {  	p1 =	seq.s32 s10, $0x1;
	s10 =	sld [smem:$0x3FAE];
	_ =	sdelay $0x3  }
0x37: {  	[smem:$0x3FAE] =	sst s10  }
0x38: {  	s10 =	sld [smem:$0x3FAF]  }
0x39: {  	_ = 	snop;
	(pc) =	sbr.ind lr, $3  }
0x3a: {  	_ = 	snop  }
0x3b: {  	_ = 	snop  }
0x3c: {  	p2 =	seq.s32 s10, $0x1;
	s10 =	sld [smem:$0x3FAE]  }
0x3d: {  	_ =	shalt  }
0x3e: {  	_ =	shalt  }
0x3f: {  	_ =	shalt  }
0x40: {  	_ =	shalt  }
0x41: {  	_ =	shalt  }
0x42: {  	_ =	shalt  }
0x43: {  	_ =	shalt  }
0x44: {  	_ =	shalt  }
0x45: {  	_ =	shalt  }
0x46: {  	_ =	shalt  }
0x47: {  	_ =	shalt  }
0x48: {  	_ =	shalt  }
0x49: {  	_ =	shalt  }
0x4a: {  	_ =	shalt  }
0x4b: {  	_ =	shalt  }
0x4c: {  	_ =	shalt  }
0x4d: {  	_ =	shalt  }
0x4e: {  	_ =	shalt  }
0x4f: {  	_ =	shalt  }
0x50: {  	_ =	shalt  }
0x51: {  	_ =	shalt  }
0x52: {  	_ =	shalt  }
0x53: {  	_ =	shalt  }
0x54: {  	_ =	shalt  }
0x55: {  	_ =	shalt  }
0x56: {  	_ =	shalt  }
0x57: {  	_ =	shalt  }
0x58: {  	_ =	shalt  }
0x59: {  	_ =	shalt  }
0x5a: {  	_ =	shalt  }
0x5b: {  	_ =	shalt  }
0x5c: {  	_ =	shalt  }
0x5d: {  	_ =	shalt  }
0x5e: {  	_ =	shalt  }
0x5f: {  	_ =	shalt  }
0x60: {  	_ =	shalt  }
0x61: {  	_ =	shalt  }
0x62: {  	_ =	shalt  }
0x63: {  	_ =	shalt  }
0x64: {  	_ =	shalt  }
0x65: {  	_ =	shalt  }
0x66: {  	_ =	shalt  }
0x67: {  	_ =	shalt  }
0x68: {  	_ =	shalt  }
0x69: {  	_ =	shalt  }
0x6a: {  	_ =	shalt  }
0x6b: {  	_ =	shalt  }
0x6c: {  	_ =	shalt  }
0x6d: {  	_ =	shalt  }
0x6e: {  	_ =	shalt  }
0x6f: {  	_ =	shalt  }
0x70: {  	_ =	shalt  }
0x71: {  	_ =	shalt  }
0x72: {  	_ =	shalt  }
0x73: {  	_ =	shalt  }
0x74: {  	_ =	shalt  }
0x75: {  	_ =	shalt  }
0x76: {  	_ =	shalt  }
0x77: {  	_ =	shalt  }
0x78: {  	_ =	shalt  }
0x79: {  	_ =	shalt  }
0x7a: {  	_ =	shalt  }
0x7b: {  	_ =	shalt  }
0x7c: {  	_ =	shalt  }
0x7d: {  	_ =	shalt  }
0x7e: {  	_ =	shalt  }
0x7f: {  	_ =	shalt  }
0x80: {  	_ =	shalt  }
0x81: {  	_ =	shalt  }
0x82: {  	_ =	shalt  }
0x83: {  	_ =	shalt  }
0x84: {  	_ =	shalt  }
0x85: {  	_ =	shalt  }
0x86: {  	_ =	shalt  }
0x87: {  	_ =	shalt  }
.Lfunc_end0:
.L_simem_size_0:
called_computation.1_lowered:
.L_overlay_start_0:
0x88: {  	s2 =	sld [smem:$0x3FD9]  }
0x89: {  	s3 =	sld [smem:$0x3FFE];
	_ =	sdelay $0x1  }
0x8a: {  	s1 =	srdreg.scid  }
0x8b: {  	s0 =	sand.u32 $0x1, s1  }
0x8c: {  	s17 =	sshll.u32 s0, $0xA;
	s2 =	sadd.s32 s3, s2  }
0x8d: {  	s2 =	sadd.s32 s2, s17  }
0x8e: {  	[smem:$0x3FBA] =	sst s2  }
0x8f: {  	_ = 	snop  }
0x90: {  	s2 =	sld [smem:$0x3FD0];
	(tm) =	ssettm $0x1  }
0x91: {  	s18 =	sld [smem:$0x3FFB];
	_ =	sdelay $0x3  }
0x92: {  	_ =	strace s18  }
0x93: {  	s3 =	sld [smem:$0x3FFC];
	_ =	sdelay $0x3  }
0x94: {  	_ =	strace s3  }
0x95: {  	s3 =	sld [smem:$0x3FFD];
	_ =	sdelay $0x3  }
0x96: {  	_ =	strace s3  }
0x97: {  	_ =	strace $0x8FFFFFFF  }
0x98: {  	s19 =	sld [smem:$0x3FDB];
	_ =	sdelay $0x1  }
0x99: {  	s4 =	simm.s32 $_scs_section_size  }
0x9a: {  	s5 =	simm.s32 $_size__tile_overlayer_lowered;
	s6 =	simm.s32 $_tile_overlayer_lowered  }
0x9b: {  	s22 =	simm.s32 $0x1BFF;
	s21 =	sshll.u32 s6, $0x1;
	s3 =	sadd.s32 s4, s19  }
0x9c: {  	s7 =	simm.s32 $0x0;
	s20 =	sshll.u32 s5, $0x1;
	s5 =	sadd.s32 s21, s3  }
0x9d: {  	[timem:s7], [sflag:s22] =	dma.local [hbm:s5], s20  }
0x9e: {  	_ =	swait.ge [sflag:s22], s20  }
0x9f: {  	s4 =	ssub.s32 $0x0, s20;
	[sflag:s22] =	ssyncset.done $0x0  }
0xa0: {  	[sflag:s22] =	ssyncadd.s32 s4;
	_ =	sdelay $0x1  }
0xa1: {  	s23 =	simm.s32 $0x1B8B  }
0xa2: {  	_ =	swait.ge [sflag:s23], $0x1  }
0xa3: {  	[sflag:s23] =	ssyncset.done $0x0  }
0xa4: {  	s25 =	simm.s32 $0x1B8E;
	s24 =	sld [smem:$0x3FFE];
	[sflag:s23] =	ssyncadd.s32 $0xFFFFFFFF  }
0xa5: {  	s26 =	simm.s32 $execute0_lowered;
	[smem:$0x3FD2] =	sst s25  }
0xa6: {  	s5 =	sshll.u32 s26, $0x1;
	_ =	strace $0x80000046;
	[dreg:$0x1] =	wrdreg $0xFFFFFFFF  }
0xa7: {  	s28 =	simm.s32 $_size_execute0_lowered;
	s3 =	sadd.s32 s3, s5;
	[dreg:$0x0] =	wrdreg $0x0  }
0xa8: {  	s5 =	sshll.u32 s28, $0x1;
	[dreg:$0x2] =	wrdreg s3  }
0xa9: {  	[dreg:$0x3] =	wrdreg s5  }
0xaa: {  	[dreg:$0x4] =	wrdreg $0xC0  }
0xab: {  	_ =	task [dreg:s7], $0x5FFFF  }
0xac: {  	[dreg:$0x1] =	wrdreg $0xFFFFFFFF  }
0xad: {  	[dreg:$0x0] =	wrdreg $0x60  }
0xae: {  	[dreg:$0x2] =	wrdreg s24  }
0xaf: {  	[dreg:$0x3] =	wrdreg s2  }
0xb0: {  	[dreg:$0x4] =	wrdreg $0x84000  }
0xb1: {  	[dreg:$0x5] =	wrdreg $0xA  }
0xb2: {  	_ =	task.clear_ibuf [dreg:s7], $0x6FFFF;
	_ =	strace $0x90000046  }
0xb3: {  	s29 =	simm.s32 $0xA;
	_ =	strace $0x80000048  }
0xb4: {  	_ =	swait.ge [sflag:s29], $0x1  }
0xb5: {  	[sflag:s29] =	ssyncadd.s32 $0xFFFFFFFF  }
0xb6: {  	_ =	strace $0x90000048  }
0xb7: {  	_ =	sfence  }
0xb8: {  	s30 =	sld [smem:$0x0];
	_ =	sdelay $0x2  }
0xb9: {  	s31 =	sshll.u32 s1, $0xD;
	s1 =	sshrl.u32 s1, $0x2  }
0xba: {  	s3 =	sand.u32 $0x4000, s31;
	s1 =	sadd.s32 s1, s30  }
0xbb: {  	s0 =	sor.u32 s3, s0;
	s1 =	sshll.u32 s1, $0x11  }
0xbc: {  	s0 =	sor.u32 s1, s0  }
0xbd: {  	s0 =	sadd.s32 $0x8F2B, s0  }
0xbe: {  	[sflag:s0] =	ssyncadd.remote.s32 $0x1  }
0xbf: {  	_ =	sfence.sel $0xFFFF  }
0xc0: {  	[dreg:$0x0] =	wrdreg $0xFFFFFFFF;
	(pc) =	sbr.abs _section_cstart, $3  }
0xc1: {  	[dreg:$0x1] =	wrdreg $0xFFFFFFFF  }
0xc2: {  	_ =	task.clear_ibuf [dreg:s7], $0x2FFFF;
	_ =	strace $0x9FFFFFFF  }
0xc3: {  	(tm) =	ssettm $0x7FFFFFFF  }
tec
execute0_lowered:
.L_overlay_start_1:
0x0: {  	(tag) =	ssettag $0x1  }
0x1: {  	s0 =	rddreg [dreg:$0x0]  }
0x2: {  	s1 =	rddreg [dreg:$0x1]  }
0x3: {  	s2 =	rddreg [dreg:$0x2]  }
0x4: {  	s3 =	srdreg.scid;
	s12 =	stileid.u32;
	s28 =	simm.s32 $0x200  }
0x5: {  	s29 =	simm.s32 $0x80;
	s30 =	simm.s32 $0x280;
	s5 =	sand.u32 $0x1, s3  }
0x6: {  	s3 =	simm.s32 $0x0;
	s6 =	smul.u32 $0x2800, s12;
	s9 =	sadd.s32 $0x3200, s0  }
0x7: {  	s10 =	smul.u32 $0x50000, s12;
	s26 =	sshll.u32 s12, $0x6;
	s4 =	sshll.u32 s5, $0x4  }
0x8: {  	[smem:$0x7FF] =	sst s3;
	s7 =	smul.u32 $0x28000, s5;
	s5 =	ssub.s32 $0x2, s5  }
0x9: {  	s8 =	sor.u32 s12, s4;
	_ =	strace $0x80000047;
	s4 =	sadd.s32 $0xD200, s0  }
0xa: {  	s11 =	sshrl.u32 s5, $0x1;
	s10 =	sshrl.u32 s10, $0x2;
	s12 =	simm.s32 $0x6  }
0xb: {  	s8 =	smul.u32 $0x2800, s8;
	s7 =	sadd.s32 s6, s7;
	s6 =	sadd.s32 s6, s0  }
0xc: {  	s5 =	ssub.s32 s5, s11;
	s10 =	sadd.s32 s10, s2;
	s11 =	simm.s32 $0x2  }
0xd: {  	s0 =	sadd.s32 s7, s0;
	[dreg:$0x4] =	wrdreg s10;
	s20 =	sor.u32 $0x380, s7  }
0xe: {  	s22 =	sor.u32 $0x300, s7;
	s24 =	sor.u32 $0x280, s7;
	s7 =	sor.u32 $0x200, s7  }
0xf: {  	s6 =	sadd.s32 $0x35200, s6;
	s31 =	smax.u32 s5, $0x1;
	s5 =	simm.s32 $0x4400  }
0x10: {  	s8 =	sshrl.u32 s8, $0x3;
	s23 =	sshrl.u32 s22, $0x3;
	s25 =	sshrl.u32 s24, $0x3  }
0x11: {  	s7 =	sshrl.u32 s7, $0x3;
	[dreg:$0xd] =	wrdreg s6;
	s22 =	sor.u32 $0x1C07, s26  }
0x12: {  	s0 =	sadd.s32 $0x5D200, s0;
	[dreg:$0x10] =	wrdreg s31;
	s26 =	simm.s32 $0x7  }
0x13: {  	s6 =	simm.s32 $0x100;
	s14 =	sadd.s32 s1, s8;
	[dreg:$0xf] =	wrdreg s0  }
0x14: {  	s15 =	sadd.s32 s9, s8;
	s16 =	sor.u32 $0x10, s8;
	[dreg:$0xe] =	wrdreg s22  }
0x15: {  	s17 =	sor.u32 $0x20, s8;
	s8 =	sor.u32 $0x30, s8;
	[dreg:$0x5] =	wrdreg s14  }
0x16: {  	s0 =	simm.s32 $0x400;
	[dreg:$0x6] =	wrdreg s15;
	s13 =	sadd.s32 s1, s16  }
0x17: {  	s10 =	sadd.s32 s9, s16;
	s18 =	sadd.s32 s1, s17;
	[dreg:$0x7] =	wrdreg s13  }
0x18: {  	s19 =	sadd.s32 s9, s17;
	s21 =	sadd.s32 s1, s8;
	[dreg:$0x8] =	wrdreg s10  }
0x19: {  	s8 =	sadd.s32 s9, s8;
	s16 =	sadd.s32 s23, s9;
	[dreg:$0x9] =	wrdreg s18  }
0x1a: {  	s17 =	sadd.s32 s23, s1;
	s23 =	simm.s32 $0x0;
	[dreg:$0xa] =	wrdreg s19  }
.Ltmp0:
0x1b: {  	[dreg:$0xb] =	wrdreg s21;
	s10 =	sshrl.u32 s20, $0x3;
	(pc) =	sbr.rel .LBB2_1-.Ltmp0, $4  }
0x1c: {  	[dreg:$0xc] =	wrdreg s8;
	s18 =	sadd.s32 s25, s9;
	s19 =	sadd.s32 s25, s1  }
0x1d: {  	s20 =	sadd.s32 s7, s9;
	s21 =	sadd.s32 s7, s1;
	s7 =	simm.s32 $0x180  }
0x1e: {  	s8 =	simm.s32 $0x380;
	s14 =	sadd.s32 s10, s9;
	s15 =	sadd.s32 s10, s1  }
0x1f: {  	s1 =	simm.s32 $0x4;
	s9 =	simm.s32 $0x1;
	s10 =	simm.s32 $0x5  }
.LBB2_4:
0x20: {  	[bflag:$0x0] =	sbarrier.arrive $0xFFFF  }
0x21: {  	s22 =	rddreg [dreg:$0xe]  }
0x22: {  	s13 =	rddreg [dreg:$0xf]  }
0x23: {  	s23 =	rddreg [dreg:$0x12]  }
0x24: {  	[hbm:s13], [sflag:s22] =	dma.local [spmem:s23], $0x2800  }
0x25: {  	_ =	swait.ge [sflag:s26], $0x2800  }
0x26: {  	s25 =	rddreg [dreg:$0x11]  }
0x27: {  	s31 =	rddreg [dreg:$0x10];
	s23 =	sadd.s32 $0x1, s25  }
0x28: {  	p0 =	sne.s32 s23, s31  }
.Ltmp1:
0x29: {  	_ = 	snop;
	(pc) =	sbr.rel @!p0 .LBB2_5-.Ltmp1, $3  }
0x2a: {  	_ =	sdelay $0x1  }
0x2b: {  	[sflag:s26] =	ssyncset.done $0x0  }
0x2c: {  	[sflag:s26] =	ssyncadd.s32 $0xFFFFD800  }
.LBB2_1:
0x2d: {  	[dreg:$0x11] =	wrdreg s23  }
0x2e: {  	s13 =	rddreg [dreg:$0x4]  }
0x2f: {  	s31 =	rddreg [dreg:$0xd];
	s25 =	sshrl.u32 s13, $0x3  }
0x30: {  	[dreg:$0x12] =	wrdreg s25  }
0x31: {  	[spmem:s25], [sflag:s22] =	dma.local [hbm:s31], $0x2800  }
0x32: {  	_ =	swait.ge [sflag:s26], $0x2800  }
0x33: {  	[sflag:s26] =	ssyncset.done $0x0  }
0x34: {  	[sflag:s26] =	ssyncadd.s32 $0xFFFFD800  }
0x35: {  	[bflag:$0x0] =	sbarrier.arrive $0xFFFF  }
0x36: {  	s22 =	rddreg [dreg:$0x5]  }
0x37: {  	[tilespmem:s3], [sflag:$0x3] =	stream.linear.gather [hbm4b:s22+s3], $0x80, $0x38;
	[tilespmem:$0x1C400] =	vst v63  }
0x38: {  	s23 =	rddreg [dreg:$0x6]  }
0x39: {  	[tilespmem:s28], [sflag:$0x3] =	stream.linear.gather [hbm4b:s23+s3], $0x80, $0x38;
	[tilespmem:$0x1C400] =	vst v63  }
0x3a: {  	s24 =	rddreg [dreg:$0x7]  }
0x3b: {  	[tilespmem:s29], [sflag:$0x4] =	stream.linear.gather [hbm4b:s24+s3], $0x80, $0x38;
	[tilespmem:$0x1C400] =	vst v63  }
0x3c: {  	s31 =	simm.s32 $0x3;
	s25 =	rddreg [dreg:$0x8]  }
0x3d: {  	[tilespmem:s30], [sflag:$0x4] =	stream.linear.gather [hbm4b:s25+s3], $0x80, $0x38;
	[tilespmem:$0x1C400] =	vst v63  }
0x3e: {  	_ =	swait.ge [sflag:s31], $0x80  }
0x3f: {  	[sflag:s31] =	ssyncset.done $0x0  }
0x40: {  	[sflag:s31] =	ssyncadd.s32 $0xFFFFFF80  }
0x41: {  	_ =	swait.ge [sflag:s31], $0x80  }
0x42: {  	[sflag:s31] =	ssyncset.done $0x0  }
0x43: {  	[sflag:s31] =	ssyncadd.s32 $0xFFFFFF80  }
0x44: {  	[tilespmem:s0], [sflag:$0x1] =	stream.indirect.gather [hbm4b:s4+s29], $0x80, s3, s29, $0xb8;
	[tilespmem:$0x1C400] =	vst v63  }
0x45: {  	_ =	swait.ge [sflag:s1], $0x80  }
0x46: {  	[sflag:s1] =	ssyncset.done $0x0  }
0x47: {  	[sflag:s1] =	ssyncadd.s32 $0xFFFFFF80  }
0x48: {  	_ =	swait.ge [sflag:s1], $0x80  }
0x49: {  	[sflag:s1] =	ssyncset.done $0x0  }
0x4a: {  	[sflag:s1] =	ssyncadd.s32 $0xFFFFFF80  }
0x4b: {  	[tilespmem:s5], [sflag:$0x2] =	stream.indirect.gather [hbm4b:s4+s29], $0x80, s29, s29, $0xb8;
	[tilespmem:$0x1C400] =	vst v63  }
0x4c: {  	s22 =	rddreg [dreg:$0x9]  }
0x4d: {  	[tilespmem:s6], [sflag:$0x5] =	stream.linear.gather [hbm4b:s22+s3], $0x80, $0x38;
	[tilespmem:$0x1C400] =	vst v63  }
0x4e: {  	s24 =	simm.s32 $0x300;
	s23 =	rddreg [dreg:$0xa]  }
0x4f: {  	[tilespmem:s24], [sflag:$0x5] =	stream.linear.gather [hbm4b:s23+s3], $0x80, $0x38;
	[tilespmem:$0x1C400] =	vst v63  }
0x50: {  	s25 =	rddreg [dreg:$0xb]  }
0x51: {  	[tilespmem:s7], [sflag:$0x6] =	stream.linear.gather [hbm4b:s25+s3], $0x80, $0x38;
	[tilespmem:$0x1C400] =	vst v63  }
0x52: {  	s31 =	rddreg [dreg:$0xc];
	s24 =	simm.s32 $0x0  }
0x53: {  	[tilespmem:s8], [sflag:$0x6] =	stream.linear.gather [hbm4b:s31+s3], $0x80, $0x38;
	[tilespmem:$0x1C400] =	vst v63  }
.LBB2_2:
0x54: {  	_ =	swait.ge [sflag:s9], $0x4000  }
0x55: {  	[sflag:s9] =	ssyncset.done $0x0  }
0x56: {  	[sflag:s9] =	ssyncadd.s32 $0xFFFFC000  }
0x57: {  	[spmem:s2] =	stream.indirect.scatter.add.f32 [tilespmem:s0], [sflag:$0x7], $0x80, s28, s29, $0xb8;
	[tilespmem:$0x1C400] =	vst v63  }
0x58: {  	_ =	swait.ge [sflag:s26], $0x4000  }
0x59: {  	[sflag:s26] =	ssyncset.done $0x0  }
0x5a: {  	[sflag:s26] =	ssyncadd.s32 $0xFFFFC000  }
0x5b: {  	_ =	swait.ge [sflag:s10], $0x80  }
0x5c: {  	[sflag:s10] =	ssyncset.done $0x0  }
0x5d: {  	[sflag:s10] =	ssyncadd.s32 $0xFFFFFF80  }
0x5e: {  	_ =	swait.ge [sflag:s10], $0x80  }
0x5f: {  	[sflag:s10] =	ssyncset.done $0x0  }
0x60: {  	p0 =	seq.s32 s24, $0x4C0;
	[sflag:s10] =	ssyncadd.s32 $0xFFFFFF80  }
0x61: {  	[tilespmem:s0], [sflag:$0x1] =	stream.indirect.gather [hbm4b:s4+s29], $0x80, s6, s29, $0xb8;
	[tilespmem:$0x1C400] =	vst v63  }
0x62: {  	s25 =	sadd.s32 @!p0 s24, s21;
	s23 =	simm.s32 @!p0 $0x0  }
0x63: {  	[tilespmem:s23], [sflag:$0x3] =	stream.linear.gather @!p0 [hbm4b:s25+s23], $0x80, $0x38;
	[tilespmem:$0x1C400] =	vst v63  }
0x64: {  	s31 =	simm.s32 @!p0 $0x200;
	s25 =	sadd.s32 @!p0 s24, s20  }
0x65: {  	[tilespmem:s31], [sflag:$0x3] =	stream.linear.gather @!p0 [hbm4b:s25+s23], $0x80, $0x38;
	[tilespmem:$0x1C400] =	vst v63  }
0x66: {  	_ =	swait.ge [sflag:s11], $0x4000  }
0x67: {  	[sflag:s11] =	ssyncset.done $0x0  }
0x68: {  	[sflag:s11] =	ssyncadd.s32 $0xFFFFC000  }
0x69: {  	[spmem:s2] =	stream.indirect.scatter.add.f32 [tilespmem:s5], [sflag:$0x7], $0x80, s30, s29, $0xb8;
	[tilespmem:$0x1C400] =	vst v63  }
0x6a: {  	_ =	swait.ge [sflag:s26], $0x4000  }
0x6b: {  	[sflag:s26] =	ssyncset.done $0x0  }
0x6c: {  	[sflag:s26] =	ssyncadd.s32 $0xFFFFC000  }
0x6d: {  	_ =	swait.ge [sflag:s12], $0x80  }
0x6e: {  	[sflag:s12] =	ssyncset.done $0x0  }
0x6f: {  	[sflag:s12] =	ssyncadd.s32 $0xFFFFFF80  }
0x70: {  	_ =	swait.ge [sflag:s12], $0x80  }
0x71: {  	[sflag:s12] =	ssyncset.done $0x0  }
0x72: {  	s25 =	simm.s32 @p0 $0x1;
	[sflag:s12] =	ssyncadd.s32 $0xFFFFFF80  }
0x73: {  	[tilespmem:s5], [sflag:$0x2] =	stream.indirect.gather [hbm4b:s4+s29], $0x80, s7, s29, $0xb8;
	[tilespmem:$0x1C400] =	vst v63  }
0x74: {  	_ =	swait.ge @p0 [sflag:s25], $0x4000  }
0x75: {  	s22 =	simm.s32 @p0 $0x400;
	[sflag:s25] =	ssyncset.done @p0 $0x0  }
0x76: {  	s31 =	simm.s32 @p0 $0x300;
	[sflag:s25] =	ssyncadd.s32 @p0 $0xFFFFC000;
	s25 =	simm.s32 @p0 $0x80  }
0x77: {  	[spmem:s2] =	stream.indirect.scatter.add.f32 @p0 [tilespmem:s22], [sflag:$0x7], $0x80, s31, s25, $0xb8;
	[tilespmem:$0x1C400] =	vst v63  }
0x78: {  	s22 =	simm.s32 @p0 $0x7  }
0x79: {  	_ =	swait.ge @p0 [sflag:s22], $0x4000  }
0x7a: {  	[sflag:s22] =	ssyncset.done @p0 $0x0  }
0x7b: {  	s25 =	simm.s32 @!p0 $0x80;
	[sflag:s22] =	ssyncadd.s32 @p0 $0xFFFFC000;
	s22 =	sadd.s32 @!p0 s24, s19  }
0x7c: {  	[tilespmem:s25], [sflag:$0x4] =	stream.linear.gather @!p0 [hbm4b:s22+s23], $0x80, $0x38;
	[tilespmem:$0x1C400] =	vst v63  }
0x7d: {  	s31 =	simm.s32 @!p0 $0x280;
	s22 =	sadd.s32 @!p0 s24, s18  }
0x7e: {  	[tilespmem:s31], [sflag:$0x4] =	stream.linear.gather @!p0 [hbm4b:s22+s23], $0x80, $0x38;
	[tilespmem:$0x1C400] =	vst v63  }
0x7f: {  	s22 =	simm.s32 @!p0 $0x1  }
0x80: {  	_ =	swait.ge @!p0 [sflag:s22], $0x4000  }
0x81: {  	s13 =	simm.s32 @!p0 $0x7;
	[sflag:s22] =	ssyncset.done @!p0 $0x0  }
0x82: {  	s31 =	simm.s32 @!p0 $0x400;
	[sflag:s22] =	ssyncadd.s32 @!p0 $0xFFFFC000;
	s22 =	simm.s32 @!p0 $0x300  }
0x83: {  	[spmem:s2] =	stream.indirect.scatter.add.f32 @!p0 [tilespmem:s31], [sflag:$0x7], $0x80, s22, s25, $0xb8;
	[tilespmem:$0x1C400] =	vst v63  }
0x84: {  	_ =	swait.ge @!p0 [sflag:s13], $0x4000  }
0x85: {  	[sflag:s13] =	ssyncset.done @!p0 $0x0  }
0x86: {  	[sflag:s13] =	ssyncadd.s32 @!p0 $0xFFFFC000;
	s13 =	simm.s32 @!p0 $0x3  }
0x87: {  	_ =	swait.ge @!p0 [sflag:s13], $0x80  }
0x88: {  	[sflag:s13] =	ssyncset.done @!p0 $0x0  }
0x89: {  	[sflag:s13] =	ssyncadd.s32 @!p0 $0xFFFFFF80  }
0x8a: {  	_ =	swait.ge @!p0 [sflag:s13], $0x80  }
0x8b: {  	[sflag:s13] =	ssyncset.done @!p0 $0x0  }
0x8c: {  	[sflag:s13] =	ssyncadd.s32 @!p0 $0xFFFFFF80  }
0x8d: {  	[tilespmem:s31], [sflag:$0x1] =	stream.indirect.gather @!p0 [hbm4b:s4+s25], $0x80, s23, s25, $0xb8;
	[tilespmem:$0x1C400] =	vst v63  }
0x8e: {  	s13 =	sadd.s32 @!p0 s24, s17;
	s25 =	simm.s32 @!p0 $0x100  }
0x8f: {  	[tilespmem:s25], [sflag:$0x5] =	stream.linear.gather @!p0 [hbm4b:s13+s23], $0x80, $0x38;
	[tilespmem:$0x1C400] =	vst v63  }
0x90: {  	s13 =	sadd.s32 @!p0 s24, s16  }
0x91: {  	[tilespmem:s22], [sflag:$0x5] =	stream.linear.gather @!p0 [hbm4b:s13+s23], $0x80, $0x38;
	[tilespmem:$0x1C400] =	vst v63  }
0x92: {  	_ =	swait.ge [sflag:s11], $0x4000  }
0x93: {  	[sflag:s11] =	ssyncset.done $0x0  }
.Ltmp2:
0x94: {  	[sflag:s11] =	ssyncadd.s32 $0xFFFFC000;
	(pc) =	sbr.rel @p0 .LBB2_4-.Ltmp2, $4  }
0x95: {  	[spmem:s2] =	stream.indirect.scatter.add.f32 [tilespmem:s5], [sflag:$0x7], $0x80, s8, s29, $0xb8;
	[tilespmem:$0x1C400] =	vst v63  }
0x96: {  	_ =	swait.ge [sflag:s26], $0x4000  }
0x97: {  	[sflag:s26] =	ssyncset.done $0x0  }
0x98: {  	[sflag:s26] =	ssyncadd.s32 $0xFFFFC000  }
0x99: {  	_ =	swait.ge [sflag:s1], $0x80  }
0x9a: {  	[sflag:s1] =	ssyncset.done $0x0  }
0x9b: {  	[sflag:s1] =	ssyncadd.s32 $0xFFFFFF80  }
0x9c: {  	_ =	swait.ge [sflag:s1], $0x80  }
0x9d: {  	[sflag:s1] =	ssyncset.done $0x0  }
0x9e: {  	[sflag:s1] =	ssyncadd.s32 $0xFFFFFF80  }
0x9f: {  	[tilespmem:s5], [sflag:$0x2] =	stream.indirect.gather [hbm4b:s4+s29], $0x80, s29, s29, $0xb8;
	[tilespmem:$0x1C400] =	vst v63  }
.Ltmp3:
0xa0: {  	_ = 	snop;
	(pc) =	sbr.rel .LBB2_2-.Ltmp3, $4  }
0xa1: {  	s13 =	sadd.s32 s24, s15  }
0xa2: {  	[tilespmem:s7], [sflag:$0x6] =	stream.linear.gather [hbm4b:s13+s3], $0x80, $0x38;
	[tilespmem:$0x1C400] =	vst v63  }
0xa3: {  	s31 =	sadd.s32 s24, s14;
	s24 =	sadd.s32 $0x40, s24  }
0xa4: {  	[tilespmem:s8], [sflag:$0x6] =	stream.linear.gather [hbm4b:s31+s3], $0x80, $0x38;
	[tilespmem:$0x1C400] =	vst v63  }
.LBB2_5:
0xa5: {  	_ =	sfence.sel $0x180000  }
0xa6: {  	[bflag:$0x0] =	sbarrier.arrive $0xFFFF  }
0xa7: {  	_ =	strace $0x90000047  }
0xa8: {  	s0 =	stileid.u32;
	[bflag:$0x2] =	sbarrier.arrive $0xFFFF  }
0xa9: {  	p0 =	sne.s32 s0, $0x0;
	s0 =	rddreg [dreg:$0x3]  }
0xaa: {  	s0 =	sadd.s32 @!p0 $0x100000, s0  }
0xab: {  	[sflag:s0] =	ssyncadd.tile.s32 @!p0 $0x1;
	_ =	shalt  }
.Lfunc_end2:
_tile_overlayer_lowered:
.L_overlay_start_2:
0xac: {  	(tag) =	ssettag $0x2  }
0xad: {  	s0 =	rddreg [dreg:$0x0];
	s2 =	stileid.u32  }
0xae: {  	s1 =	rddreg [dreg:$0x1];
	p0 =	sne.s32 s2, $0x0  }
0xaf: {  	s3 =	rddreg [dreg:$0x2];
	[bflag:$0x3] =	sbarrier.arrive $0xFFFF;
	s2 =	simm.s32 @!p0 $0x1C07  }
0xb0: {  	[timem:s3], [sflag:s2] =	dma.local @!p0 [hbm:s0], s1  }
0xb1: {  	s0 =	simm.s32 @!p0 $0x7  }
0xb2: {  	_ =	swait.ge @!p0 [sflag:s0], s1  }
0xb3: {  	s1 =	ssub.s32 @!p0 $0x0, s1;
	[sflag:s0] =	ssyncset.done @!p0 $0x0  }
0xb4: {  	[sflag:s0] =	ssyncadd.s32 @!p0 s1  }
0xb5: {  	[bflag:$0x3] =	sbarrier.arrive $0xFFFF  }
0xb6: {  	_ =	shalt  }

// kernel: kernel.15.cloned.1.call-start
scs
__scs_entry_jumppad:
0x0: {  	(pc) =	sbr.rel $0x88, $3  }
0x1: {  	(tag) =	ssettag $0x0;
	lr =	simm.s32 $0x1  }
0x2: {  	[smem:$0x3F93] =	sst lr;
	_ =	strace $0xD0000000  }
0x3: {  	_ = 	snop  }
0x4: {  	_ = 	snop  }
0x5: {  	_ = 	snop  }
0x6: {  	_ = 	snop  }
0x7: {  	_ = 	snop  }
__scs_overlays_trampoline_lowered:
0x8: {  	[smem:$0x3FA2] =	sst s0  }
0x9: {  	[smem:$0x3FA3] =	sst s1  }
0xa: {  	[smem:$0x3FA4] =	sst s2  }
0xb: {  	[smem:$0x3FA5] =	sst s3  }
0xc: {  	[smem:$0x3FA6] =	sst s4  }
0xd: {  	[smem:$0x3FA7] =	sst s5  }
0xe: {  	[smem:$0x3FA8] =	sst s6  }
0xf: {  	[smem:$0x3FA9] =	sst s7  }
0x10: {  	[smem:$0x3FAA] =	sst s8  }
0x11: {  	[smem:$0x3FAB] =	sst s9;
	s0 =	simm.s32 @!p0 $0x0  }
0x12: {  	s1 =	sld [smem:$0x3F91];
	s0 =	simm.s32 @p0 $0x1  }
0x13: {  	[smem:$0x3FAC] =	sst s0;
	s0 =	simm.s32 @!p1 $0x0  }
0x14: {  	s2 =	sld [smem:$0x3F90];
	s0 =	simm.s32 @p1 $0x1  }
0x15: {  	[smem:$0x3FAD] =	sst s0;
	s0 =	simm.s32 @!p2 $0x0  }
0x16: {  	s3 =	sld [smem:$0x3FDB];
	s0 =	simm.s32 @p2 $0x1  }
0x17: {  	s4 =	simm.s32 $0x1BF5;
	[smem:$0x3FAF] =	sst s0  }
0x18: {  	s0 =	sld [smem:$0x3F92];
	_ =	swait.ge [sflag:s4], $0x0  }
0x19: {  	s7 =	sld [smem:$0x3F93]  }
0x1a: {  	s8 =	sadd.s32 $0xFFFFE003, lr  }
0x1b: {  	s9 =	sadd.s32 $0xFFFFFEF7, lr;
	s5 =	simm.s32 $0xFFFFFFFF;
	p2 =	slt.u32 s8, $0xFFFFF086  }
0x1c: {  	p1 =	slt.u32 s9, $0xF7A;
	s5 =	simm.s32 @!p2 $0x0  }
0x1d: {  	s5 =	simm.s32 @p1 $0x1;
	p0 =	seq.s32 s7, s2  }
0x1e: {  	s7 =	smul.u32 @!p0 $0xF7A, s2;
	p2 =	seq.s32 @!p0 s5, $0x0  }
0x1f: {  	s9 =	smul.u32 $0xF7A, s1;
	s8 =	simm.s32 @!p0 $0x1BF5;
	p2 =	por !p2, p0  }
0x20: {  	[sflag:s8] =	ssyncset.s32 @!p0 $0xFFFFF086;
	s6 =	sadd.s32 @!p0 s3, s7;
	s7 =	simm.s32 @!p0 $0x108  }
0x21: {  	s3 =	sadd.s32 s3, s9;
	s6 =	sadd.s32 @!p0 $0x88, s6;
	s7 =	simm.s32 @p2 $0x1082  }
0x22: {  	[simem:s7], [sflag:s8] =	dma.local @!p0 [hbm:s6], $0xF7A  }
0x23: {  	s9 =	sor.u32 $0xD0000000, s2;
	s6 =	simm.s32 $0x108;
	_ =	swait.ge @!p0 [sflag:s8], $0x0  }
0x24: {  	s3 =	sadd.s32 $0x88, s3;
	s6 =	simm.s32 @!p1 $0x1082;
	[sflag:s4] =	ssyncset.s32 $0xFFFFF086  }
0x25: {  	[simem:s6], [sflag:s4] =	dma.local [hbm:s3], $0xF7A  }
0x26: {  	[smem:$0x3F93] =	sst s1;
	(tag) =	ssettag s2;
	_ =	strace s9  }
0x27: {  	s1 =	sld [smem:$0x3FA3]  }
0x28: {  	s2 =	sld [smem:$0x3FA4]  }
0x29: {  	s4 =	sld [smem:$0x3FA6]  }
0x2a: {  	p0 =	seq.s32 s5, $0x0;
	s5 =	sld [smem:$0x3FA7]  }
0x2b: {  	s6 =	sld [smem:$0x3FA8]  }
0x2c: {  	s7 =	sld [smem:$0x3FA9]  }
0x2d: {  	s3 =	simm.s32 $0x108;
	s8 =	sld [smem:$0x3FAA]  }
0x2e: {  	s3 =	simm.s32 @!p0 $0x1082;
	s9 =	sld [smem:$0x3FAB]  }
0x2f: {  	lr =	sadd.s32 s0, s3;
	s0 =	sld [smem:$0x3FA2]  }
0x30: {  	s3 =	sld [smem:$0x3FA5]  }
0x31: {  	[smem:$0x3FAE] =	sst s10  }
0x32: {  	s10 =	sld [smem:$0x3FAC];
	_ =	sdelay $0x3  }
0x33: {  	p0 =	seq.s32 s10, $0x1;
	s10 =	sld [smem:$0x3FAE];
	_ =	sdelay $0x3  }
0x34: {  	[smem:$0x3FAE] =	sst s10  }
0x35: {  	s10 =	sld [smem:$0x3FAD];
	_ =	sdelay $0x3  }
0x36: {  	p1 =	seq.s32 s10, $0x1;
	s10 =	sld [smem:$0x3FAE];
	_ =	sdelay $0x3  }
0x37: {  	[smem:$0x3FAE] =	sst s10  }
0x38: {  	s10 =	sld [smem:$0x3FAF]  }
0x39: {  	_ = 	snop;
	(pc) =	sbr.ind lr, $3  }
0x3a: {  	_ = 	snop  }
0x3b: {  	_ = 	snop  }
0x3c: {  	p2 =	seq.s32 s10, $0x1;
	s10 =	sld [smem:$0x3FAE]  }
0x3d: {  	_ =	shalt  }
0x3e: {  	_ =	shalt  }
0x3f: {  	_ =	shalt  }
0x40: {  	_ =	shalt  }
0x41: {  	_ =	shalt  }
0x42: {  	_ =	shalt  }
0x43: {  	_ =	shalt  }
0x44: {  	_ =	shalt  }
0x45: {  	_ =	shalt  }
0x46: {  	_ =	shalt  }
0x47: {  	_ =	shalt  }
0x48: {  	_ =	shalt  }
0x49: {  	_ =	shalt  }
0x4a: {  	_ =	shalt  }
0x4b: {  	_ =	shalt  }
0x4c: {  	_ =	shalt  }
0x4d: {  	_ =	shalt  }
0x4e: {  	_ =	shalt  }
0x4f: {  	_ =	shalt  }
0x50: {  	_ =	shalt  }
0x51: {  	_ =	shalt  }
0x52: {  	_ =	shalt  }
0x53: {  	_ =	shalt  }
0x54: {  	_ =	shalt  }
0x55: {  	_ =	shalt  }
0x56: {  	_ =	shalt  }
0x57: {  	_ =	shalt  }
0x58: {  	_ =	shalt  }
0x59: {  	_ =	shalt  }
0x5a: {  	_ =	shalt  }
0x5b: {  	_ =	shalt  }
0x5c: {  	_ =	shalt  }
0x5d: {  	_ =	shalt  }
0x5e: {  	_ =	shalt  }
0x5f: {  	_ =	shalt  }
0x60: {  	_ =	shalt  }
0x61: {  	_ =	shalt  }
0x62: {  	_ =	shalt  }
0x63: {  	_ =	shalt  }
0x64: {  	_ =	shalt  }
0x65: {  	_ =	shalt  }
0x66: {  	_ =	shalt  }
0x67: {  	_ =	shalt  }
0x68: {  	_ =	shalt  }
0x69: {  	_ =	shalt  }
0x6a: {  	_ =	shalt  }
0x6b: {  	_ =	shalt  }
0x6c: {  	_ =	shalt  }
0x6d: {  	_ =	shalt  }
0x6e: {  	_ =	shalt  }
0x6f: {  	_ =	shalt  }
0x70: {  	_ =	shalt  }
0x71: {  	_ =	shalt  }
0x72: {  	_ =	shalt  }
0x73: {  	_ =	shalt  }
0x74: {  	_ =	shalt  }
0x75: {  	_ =	shalt  }
0x76: {  	_ =	shalt  }
0x77: {  	_ =	shalt  }
0x78: {  	_ =	shalt  }
0x79: {  	_ =	shalt  }
0x7a: {  	_ =	shalt  }
0x7b: {  	_ =	shalt  }
0x7c: {  	_ =	shalt  }
0x7d: {  	_ =	shalt  }
0x7e: {  	_ =	shalt  }
0x7f: {  	_ =	shalt  }
0x80: {  	_ =	shalt  }
0x81: {  	_ =	shalt  }
0x82: {  	_ =	shalt  }
0x83: {  	_ =	shalt  }
0x84: {  	_ =	shalt  }
0x85: {  	_ =	shalt  }
0x86: {  	_ =	shalt  }
0x87: {  	_ =	shalt  }
.Lfunc_end0:
.L_simem_size_0:
called_computation.2_lowered:
.L_overlay_start_0:
0x88: {  	s2 =	sld [smem:$0x3FD9]  }
0x89: {  	s3 =	sld [smem:$0x3FFE];
	_ =	sdelay $0x1  }
0x8a: {  	s1 =	srdreg.scid  }
0x8b: {  	s0 =	sand.u32 $0x1, s1  }
0x8c: {  	s17 =	sshll.u32 s0, $0xA;
	s2 =	sadd.s32 s3, s2  }
0x8d: {  	s2 =	sadd.s32 s2, s17  }
0x8e: {  	[smem:$0x3FBA] =	sst s2  }
0x8f: {  	_ = 	snop  }
0x90: {  	s2 =	sld [smem:$0x3FD0];
	(tm) =	ssettm $0x1  }
0x91: {  	s18 =	sld [smem:$0x3FFB];
	_ =	sdelay $0x3  }
0x92: {  	_ =	strace s18  }
0x93: {  	s3 =	sld [smem:$0x3FFC];
	_ =	sdelay $0x3  }
0x94: {  	_ =	strace s3  }
0x95: {  	s3 =	sld [smem:$0x3FFD];
	_ =	sdelay $0x3  }
0x96: {  	_ =	strace s3  }
0x97: {  	_ =	strace $0x8FFFFFFF  }
0x98: {  	s19 =	sld [smem:$0x3FDB];
	_ =	sdelay $0x1  }
0x99: {  	s4 =	simm.s32 $_scs_section_size  }
0x9a: {  	s5 =	simm.s32 $_size__tile_overlayer_lowered;
	s6 =	simm.s32 $_tile_overlayer_lowered  }
0x9b: {  	s22 =	simm.s32 $0x1BFF;
	s21 =	sshll.u32 s6, $0x1;
	s3 =	sadd.s32 s4, s19  }
0x9c: {  	s7 =	simm.s32 $0x0;
	s20 =	sshll.u32 s5, $0x1;
	s5 =	sadd.s32 s21, s3  }
0x9d: {  	[timem:s7], [sflag:s22] =	dma.local [hbm:s5], s20  }
0x9e: {  	_ =	swait.ge [sflag:s22], s20  }
0x9f: {  	s4 =	ssub.s32 $0x0, s20;
	[sflag:s22] =	ssyncset.done $0x0  }
0xa0: {  	[sflag:s22] =	ssyncadd.s32 s4;
	_ =	sdelay $0x1  }
0xa1: {  	s23 =	simm.s32 $0x1B8B  }
0xa2: {  	_ =	swait.ge [sflag:s23], $0x1  }
0xa3: {  	[sflag:s23] =	ssyncset.done $0x0  }
0xa4: {  	s25 =	simm.s32 $0x1B8E;
	s24 =	sld [smem:$0x3FFE];
	[sflag:s23] =	ssyncadd.s32 $0xFFFFFFFF  }
0xa5: {  	s26 =	simm.s32 $execute0_lowered;
	[smem:$0x3FD2] =	sst s25  }
0xa6: {  	s5 =	sshll.u32 s26, $0x1;
	_ =	strace $0x8000004C;
	[dreg:$0x1] =	wrdreg $0xFFFFFFFF  }
0xa7: {  	s28 =	simm.s32 $_size_execute0_lowered;
	s3 =	sadd.s32 s3, s5;
	[dreg:$0x0] =	wrdreg $0x0  }
0xa8: {  	s5 =	sshll.u32 s28, $0x1;
	[dreg:$0x2] =	wrdreg s3  }
0xa9: {  	[dreg:$0x3] =	wrdreg s5  }
0xaa: {  	[dreg:$0x4] =	wrdreg $0xC0  }
0xab: {  	_ =	task [dreg:s7], $0x5FFFF  }
0xac: {  	[dreg:$0x1] =	wrdreg $0xFFFFFFFF  }
0xad: {  	[dreg:$0x0] =	wrdreg $0x60  }
0xae: {  	[dreg:$0x2] =	wrdreg s24  }
0xaf: {  	[dreg:$0x3] =	wrdreg s2  }
0xb0: {  	[dreg:$0x4] =	wrdreg $0x84000  }
0xb1: {  	[dreg:$0x5] =	wrdreg $0x9  }
0xb2: {  	_ =	task.clear_ibuf [dreg:s7], $0x6FFFF;
	_ =	strace $0x9000004C  }
0xb3: {  	s29 =	simm.s32 $0x9;
	_ =	strace $0x8000004E  }
0xb4: {  	_ =	swait.ge [sflag:s29], $0x1  }
0xb5: {  	[sflag:s29] =	ssyncadd.s32 $0xFFFFFFFF  }
0xb6: {  	_ =	strace $0x9000004E  }
0xb7: {  	_ =	sfence  }
0xb8: {  	s30 =	sld [smem:$0x0];
	_ =	sdelay $0x2  }
0xb9: {  	s31 =	sshll.u32 s1, $0xD;
	s1 =	sshrl.u32 s1, $0x2  }
0xba: {  	s3 =	sand.u32 $0x4000, s31;
	s1 =	sadd.s32 s1, s30  }
0xbb: {  	s0 =	sor.u32 s3, s0;
	s1 =	sshll.u32 s1, $0x11  }
0xbc: {  	s0 =	sor.u32 s1, s0  }
0xbd: {  	s0 =	sadd.s32 $0x8F2B, s0  }
0xbe: {  	[sflag:s0] =	ssyncadd.remote.s32 $0x1  }
0xbf: {  	_ =	sfence.sel $0xFFFF  }
0xc0: {  	[dreg:$0x0] =	wrdreg $0xFFFFFFFF;
	(pc) =	sbr.abs _section_cstart, $3  }
0xc1: {  	[dreg:$0x1] =	wrdreg $0xFFFFFFFF  }
0xc2: {  	_ =	task.clear_ibuf [dreg:s7], $0x2FFFF;
	_ =	strace $0x9FFFFFFF  }
0xc3: {  	(tm) =	ssettm $0x7FFFFFFF  }
tec
execute0_lowered:
.L_overlay_start_1:
0x0: {  	(tag) =	ssettag $0x1  }
0x1: {  	s0 =	rddreg [dreg:$0x0]  }
0x2: {  	s1 =	rddreg [dreg:$0x1]  }
0x3: {  	s2 =	rddreg [dreg:$0x2]  }
0x4: {  	s3 =	srdreg.scid;
	s12 =	stileid.u32;
	s28 =	simm.s32 $0x200  }
0x5: {  	s29 =	simm.s32 $0x80;
	s30 =	simm.s32 $0x280;
	s5 =	sand.u32 $0x1, s3  }
0x6: {  	s3 =	simm.s32 $0x0;
	s6 =	smul.u32 $0x2800, s12;
	s9 =	sadd.s32 $0x3200, s0  }
0x7: {  	s10 =	smul.u32 $0x50000, s12;
	s26 =	sshll.u32 s12, $0x6;
	s4 =	sshll.u32 s5, $0x4  }
0x8: {  	[smem:$0x7FF] =	sst s3;
	s7 =	smul.u32 $0x28000, s5;
	s5 =	ssub.s32 $0x2, s5  }
0x9: {  	s8 =	sor.u32 s12, s4;
	_ =	strace $0x8000004D;
	s4 =	sadd.s32 $0xD200, s0  }
0xa: {  	s11 =	sshrl.u32 s5, $0x1;
	s10 =	sshrl.u32 s10, $0x2;
	s12 =	simm.s32 $0x6  }
0xb: {  	s8 =	smul.u32 $0x2800, s8;
	s7 =	sadd.s32 s6, s7;
	s6 =	sadd.s32 s6, s0  }
0xc: {  	s5 =	ssub.s32 s5, s11;
	s10 =	sadd.s32 s10, s2;
	s11 =	simm.s32 $0x2  }
0xd: {  	s0 =	sadd.s32 s7, s0;
	[dreg:$0x4] =	wrdreg s10;
	s20 =	sor.u32 $0x380, s7  }
0xe: {  	s22 =	sor.u32 $0x300, s7;
	s24 =	sor.u32 $0x280, s7;
	s7 =	sor.u32 $0x200, s7  }
0xf: {  	s6 =	sadd.s32 $0x35200, s6;
	s31 =	smax.u32 s5, $0x1;
	s5 =	simm.s32 $0x4400  }
0x10: {  	s8 =	sshrl.u32 s8, $0x3;
	s23 =	sshrl.u32 s22, $0x3;
	s25 =	sshrl.u32 s24, $0x3  }
0x11: {  	s7 =	sshrl.u32 s7, $0x3;
	[dreg:$0xd] =	wrdreg s6;
	s22 =	sor.u32 $0x1C07, s26  }
0x12: {  	s0 =	sadd.s32 $0x5D200, s0;
	[dreg:$0x10] =	wrdreg s31;
	s26 =	simm.s32 $0x7  }
0x13: {  	s6 =	simm.s32 $0x100;
	s14 =	sadd.s32 s1, s8;
	[dreg:$0xf] =	wrdreg s0  }
0x14: {  	s15 =	sadd.s32 s9, s8;
	s16 =	sor.u32 $0x10, s8;
	[dreg:$0xe] =	wrdreg s22  }
0x15: {  	s17 =	sor.u32 $0x20, s8;
	s8 =	sor.u32 $0x30, s8;
	[dreg:$0x5] =	wrdreg s14  }
0x16: {  	s0 =	simm.s32 $0x400;
	[dreg:$0x6] =	wrdreg s15;
	s13 =	sadd.s32 s1, s16  }
0x17: {  	s10 =	sadd.s32 s9, s16;
	s18 =	sadd.s32 s1, s17;
	[dreg:$0x7] =	wrdreg s13  }
0x18: {  	s19 =	sadd.s32 s9, s17;
	s21 =	sadd.s32 s1, s8;
	[dreg:$0x8] =	wrdreg s10  }
0x19: {  	s8 =	sadd.s32 s9, s8;
	s16 =	sadd.s32 s23, s9;
	[dreg:$0x9] =	wrdreg s18  }
0x1a: {  	s17 =	sadd.s32 s23, s1;
	s23 =	simm.s32 $0x0;
	[dreg:$0xa] =	wrdreg s19  }
.Ltmp0:
0x1b: {  	[dreg:$0xb] =	wrdreg s21;
	s10 =	sshrl.u32 s20, $0x3;
	(pc) =	sbr.rel .LBB2_1-.Ltmp0, $4  }
0x1c: {  	[dreg:$0xc] =	wrdreg s8;
	s18 =	sadd.s32 s25, s9;
	s19 =	sadd.s32 s25, s1  }
0x1d: {  	s20 =	sadd.s32 s7, s9;
	s21 =	sadd.s32 s7, s1;
	s7 =	simm.s32 $0x180  }
0x1e: {  	s8 =	simm.s32 $0x380;
	s14 =	sadd.s32 s10, s9;
	s15 =	sadd.s32 s10, s1  }
0x1f: {  	s1 =	simm.s32 $0x4;
	s9 =	simm.s32 $0x1;
	s10 =	simm.s32 $0x5  }
.LBB2_4:
0x20: {  	[bflag:$0x0] =	sbarrier.arrive $0xFFFF  }
0x21: {  	s22 =	rddreg [dreg:$0xe]  }
0x22: {  	s13 =	rddreg [dreg:$0xf]  }
0x23: {  	s23 =	rddreg [dreg:$0x12]  }
0x24: {  	[hbm:s13], [sflag:s22] =	dma.local [spmem:s23], $0x2800  }
0x25: {  	_ =	swait.ge [sflag:s26], $0x2800  }
0x26: {  	s25 =	rddreg [dreg:$0x11]  }
0x27: {  	s31 =	rddreg [dreg:$0x10];
	s23 =	sadd.s32 $0x1, s25  }
0x28: {  	p0 =	sne.s32 s23, s31  }
.Ltmp1:
0x29: {  	_ = 	snop;
	(pc) =	sbr.rel @!p0 .LBB2_5-.Ltmp1, $3  }
0x2a: {  	_ =	sdelay $0x1  }
0x2b: {  	[sflag:s26] =	ssyncset.done $0x0  }
0x2c: {  	[sflag:s26] =	ssyncadd.s32 $0xFFFFD800  }
.LBB2_1:
0x2d: {  	[dreg:$0x11] =	wrdreg s23  }
0x2e: {  	s13 =	rddreg [dreg:$0x4]  }
0x2f: {  	s31 =	rddreg [dreg:$0xd];
	s25 =	sshrl.u32 s13, $0x3  }
0x30: {  	[dreg:$0x12] =	wrdreg s25  }
0x31: {  	[spmem:s25], [sflag:s22] =	dma.local [hbm:s31], $0x2800  }
0x32: {  	_ =	swait.ge [sflag:s26], $0x2800  }
0x33: {  	[sflag:s26] =	ssyncset.done $0x0  }
0x34: {  	[sflag:s26] =	ssyncadd.s32 $0xFFFFD800  }
0x35: {  	[bflag:$0x0] =	sbarrier.arrive $0xFFFF  }
0x36: {  	s22 =	rddreg [dreg:$0x5]  }
0x37: {  	[tilespmem:s3], [sflag:$0x3] =	stream.linear.gather [hbm4b:s22+s3], $0x80, $0x38;
	[tilespmem:$0x1C400] =	vst v63  }
0x38: {  	s23 =	rddreg [dreg:$0x6]  }
0x39: {  	[tilespmem:s28], [sflag:$0x3] =	stream.linear.gather [hbm4b:s23+s3], $0x80, $0x38;
	[tilespmem:$0x1C400] =	vst v63  }
0x3a: {  	s24 =	rddreg [dreg:$0x7]  }
0x3b: {  	[tilespmem:s29], [sflag:$0x4] =	stream.linear.gather [hbm4b:s24+s3], $0x80, $0x38;
	[tilespmem:$0x1C400] =	vst v63  }
0x3c: {  	s31 =	simm.s32 $0x3;
	s25 =	rddreg [dreg:$0x8]  }
0x3d: {  	[tilespmem:s30], [sflag:$0x4] =	stream.linear.gather [hbm4b:s25+s3], $0x80, $0x38;
	[tilespmem:$0x1C400] =	vst v63  }
0x3e: {  	_ =	swait.ge [sflag:s31], $0x80  }
0x3f: {  	[sflag:s31] =	ssyncset.done $0x0  }
0x40: {  	[sflag:s31] =	ssyncadd.s32 $0xFFFFFF80  }
0x41: {  	_ =	swait.ge [sflag:s31], $0x80  }
0x42: {  	[sflag:s31] =	ssyncset.done $0x0  }
0x43: {  	[sflag:s31] =	ssyncadd.s32 $0xFFFFFF80  }
0x44: {  	[tilespmem:s0], [sflag:$0x1] =	stream.indirect.gather [hbm4b:s4+s29], $0x80, s3, s29, $0xb8;
	[tilespmem:$0x1C400] =	vst v63  }
0x45: {  	_ =	swait.ge [sflag:s1], $0x80  }
0x46: {  	[sflag:s1] =	ssyncset.done $0x0  }
0x47: {  	[sflag:s1] =	ssyncadd.s32 $0xFFFFFF80  }
0x48: {  	_ =	swait.ge [sflag:s1], $0x80  }
0x49: {  	[sflag:s1] =	ssyncset.done $0x0  }
0x4a: {  	[sflag:s1] =	ssyncadd.s32 $0xFFFFFF80  }
0x4b: {  	[tilespmem:s5], [sflag:$0x2] =	stream.indirect.gather [hbm4b:s4+s29], $0x80, s29, s29, $0xb8;
	[tilespmem:$0x1C400] =	vst v63  }
0x4c: {  	s22 =	rddreg [dreg:$0x9]  }
0x4d: {  	[tilespmem:s6], [sflag:$0x5] =	stream.linear.gather [hbm4b:s22+s3], $0x80, $0x38;
	[tilespmem:$0x1C400] =	vst v63  }
0x4e: {  	s24 =	simm.s32 $0x300;
	s23 =	rddreg [dreg:$0xa]  }
0x4f: {  	[tilespmem:s24], [sflag:$0x5] =	stream.linear.gather [hbm4b:s23+s3], $0x80, $0x38;
	[tilespmem:$0x1C400] =	vst v63  }
0x50: {  	s25 =	rddreg [dreg:$0xb]  }
0x51: {  	[tilespmem:s7], [sflag:$0x6] =	stream.linear.gather [hbm4b:s25+s3], $0x80, $0x38;
	[tilespmem:$0x1C400] =	vst v63  }
0x52: {  	s31 =	rddreg [dreg:$0xc];
	s24 =	simm.s32 $0x0  }
0x53: {  	[tilespmem:s8], [sflag:$0x6] =	stream.linear.gather [hbm4b:s31+s3], $0x80, $0x38;
	[tilespmem:$0x1C400] =	vst v63  }
.LBB2_2:
0x54: {  	_ =	swait.ge [sflag:s9], $0x4000  }
0x55: {  	[sflag:s9] =	ssyncset.done $0x0  }
0x56: {  	[sflag:s9] =	ssyncadd.s32 $0xFFFFC000  }
0x57: {  	[spmem:s2] =	stream.indirect.scatter.add.f32 [tilespmem:s0], [sflag:$0x7], $0x80, s28, s29, $0xb8;
	[tilespmem:$0x1C400] =	vst v63  }
0x58: {  	_ =	swait.ge [sflag:s26], $0x4000  }
0x59: {  	[sflag:s26] =	ssyncset.done $0x0  }
0x5a: {  	[sflag:s26] =	ssyncadd.s32 $0xFFFFC000  }
0x5b: {  	_ =	swait.ge [sflag:s10], $0x80  }
0x5c: {  	[sflag:s10] =	ssyncset.done $0x0  }
0x5d: {  	[sflag:s10] =	ssyncadd.s32 $0xFFFFFF80  }
0x5e: {  	_ =	swait.ge [sflag:s10], $0x80  }
0x5f: {  	[sflag:s10] =	ssyncset.done $0x0  }
0x60: {  	p0 =	seq.s32 s24, $0x4C0;
	[sflag:s10] =	ssyncadd.s32 $0xFFFFFF80  }
0x61: {  	[tilespmem:s0], [sflag:$0x1] =	stream.indirect.gather [hbm4b:s4+s29], $0x80, s6, s29, $0xb8;
	[tilespmem:$0x1C400] =	vst v63  }
0x62: {  	s25 =	sadd.s32 @!p0 s24, s21;
	s23 =	simm.s32 @!p0 $0x0  }
0x63: {  	[tilespmem:s23], [sflag:$0x3] =	stream.linear.gather @!p0 [hbm4b:s25+s23], $0x80, $0x38;
	[tilespmem:$0x1C400] =	vst v63  }
0x64: {  	s31 =	simm.s32 @!p0 $0x200;
	s25 =	sadd.s32 @!p0 s24, s20  }
0x65: {  	[tilespmem:s31], [sflag:$0x3] =	stream.linear.gather @!p0 [hbm4b:s25+s23], $0x80, $0x38;
	[tilespmem:$0x1C400] =	vst v63  }
0x66: {  	_ =	swait.ge [sflag:s11], $0x4000  }
0x67: {  	[sflag:s11] =	ssyncset.done $0x0  }
0x68: {  	[sflag:s11] =	ssyncadd.s32 $0xFFFFC000  }
0x69: {  	[spmem:s2] =	stream.indirect.scatter.add.f32 [tilespmem:s5], [sflag:$0x7], $0x80, s30, s29, $0xb8;
	[tilespmem:$0x1C400] =	vst v63  }
0x6a: {  	_ =	swait.ge [sflag:s26], $0x4000  }
0x6b: {  	[sflag:s26] =	ssyncset.done $0x0  }
0x6c: {  	[sflag:s26] =	ssyncadd.s32 $0xFFFFC000  }
0x6d: {  	_ =	swait.ge [sflag:s12], $0x80  }
0x6e: {  	[sflag:s12] =	ssyncset.done $0x0  }
0x6f: {  	[sflag:s12] =	ssyncadd.s32 $0xFFFFFF80  }
0x70: {  	_ =	swait.ge [sflag:s12], $0x80  }
0x71: {  	[sflag:s12] =	ssyncset.done $0x0  }
0x72: {  	s25 =	simm.s32 @p0 $0x1;
	[sflag:s12] =	ssyncadd.s32 $0xFFFFFF80  }
0x73: {  	[tilespmem:s5], [sflag:$0x2] =	stream.indirect.gather [hbm4b:s4+s29], $0x80, s7, s29, $0xb8;
	[tilespmem:$0x1C400] =	vst v63  }
0x74: {  	_ =	swait.ge @p0 [sflag:s25], $0x4000  }
0x75: {  	s22 =	simm.s32 @p0 $0x400;
	[sflag:s25] =	ssyncset.done @p0 $0x0  }
0x76: {  	s31 =	simm.s32 @p0 $0x300;
	[sflag:s25] =	ssyncadd.s32 @p0 $0xFFFFC000;
	s25 =	simm.s32 @p0 $0x80  }
0x77: {  	[spmem:s2] =	stream.indirect.scatter.add.f32 @p0 [tilespmem:s22], [sflag:$0x7], $0x80, s31, s25, $0xb8;
	[tilespmem:$0x1C400] =	vst v63  }
0x78: {  	s22 =	simm.s32 @p0 $0x7  }
0x79: {  	_ =	swait.ge @p0 [sflag:s22], $0x4000  }
0x7a: {  	[sflag:s22] =	ssyncset.done @p0 $0x0  }
0x7b: {  	s25 =	simm.s32 @!p0 $0x80;
	[sflag:s22] =	ssyncadd.s32 @p0 $0xFFFFC000;
	s22 =	sadd.s32 @!p0 s24, s19  }
0x7c: {  	[tilespmem:s25], [sflag:$0x4] =	stream.linear.gather @!p0 [hbm4b:s22+s23], $0x80, $0x38;
	[tilespmem:$0x1C400] =	vst v63  }
0x7d: {  	s31 =	simm.s32 @!p0 $0x280;
	s22 =	sadd.s32 @!p0 s24, s18  }
0x7e: {  	[tilespmem:s31], [sflag:$0x4] =	stream.linear.gather @!p0 [hbm4b:s22+s23], $0x80, $0x38;
	[tilespmem:$0x1C400] =	vst v63  }
0x7f: {  	s22 =	simm.s32 @!p0 $0x1  }
0x80: {  	_ =	swait.ge @!p0 [sflag:s22], $0x4000  }
0x81: {  	s13 =	simm.s32 @!p0 $0x7;
	[sflag:s22] =	ssyncset.done @!p0 $0x0  }
0x82: {  	s31 =	simm.s32 @!p0 $0x400;
	[sflag:s22] =	ssyncadd.s32 @!p0 $0xFFFFC000;
	s22 =	simm.s32 @!p0 $0x300  }
0x83: {  	[spmem:s2] =	stream.indirect.scatter.add.f32 @!p0 [tilespmem:s31], [sflag:$0x7], $0x80, s22, s25, $0xb8;
	[tilespmem:$0x1C400] =	vst v63  }
0x84: {  	_ =	swait.ge @!p0 [sflag:s13], $0x4000  }
0x85: {  	[sflag:s13] =	ssyncset.done @!p0 $0x0  }
0x86: {  	[sflag:s13] =	ssyncadd.s32 @!p0 $0xFFFFC000;
	s13 =	simm.s32 @!p0 $0x3  }
0x87: {  	_ =	swait.ge @!p0 [sflag:s13], $0x80  }
0x88: {  	[sflag:s13] =	ssyncset.done @!p0 $0x0  }
0x89: {  	[sflag:s13] =	ssyncadd.s32 @!p0 $0xFFFFFF80  }
0x8a: {  	_ =	swait.ge @!p0 [sflag:s13], $0x80  }
0x8b: {  	[sflag:s13] =	ssyncset.done @!p0 $0x0  }
0x8c: {  	[sflag:s13] =	ssyncadd.s32 @!p0 $0xFFFFFF80  }
0x8d: {  	[tilespmem:s31], [sflag:$0x1] =	stream.indirect.gather @!p0 [hbm4b:s4+s25], $0x80, s23, s25, $0xb8;
	[tilespmem:$0x1C400] =	vst v63  }
0x8e: {  	s13 =	sadd.s32 @!p0 s24, s17;
	s25 =	simm.s32 @!p0 $0x100  }
0x8f: {  	[tilespmem:s25], [sflag:$0x5] =	stream.linear.gather @!p0 [hbm4b:s13+s23], $0x80, $0x38;
	[tilespmem:$0x1C400] =	vst v63  }
0x90: {  	s13 =	sadd.s32 @!p0 s24, s16  }
0x91: {  	[tilespmem:s22], [sflag:$0x5] =	stream.linear.gather @!p0 [hbm4b:s13+s23], $0x80, $0x38;
	[tilespmem:$0x1C400] =	vst v63  }
0x92: {  	_ =	swait.ge [sflag:s11], $0x4000  }
0x93: {  	[sflag:s11] =	ssyncset.done $0x0  }
.Ltmp2:
0x94: {  	[sflag:s11] =	ssyncadd.s32 $0xFFFFC000;
	(pc) =	sbr.rel @p0 .LBB2_4-.Ltmp2, $4  }
0x95: {  	[spmem:s2] =	stream.indirect.scatter.add.f32 [tilespmem:s5], [sflag:$0x7], $0x80, s8, s29, $0xb8;
	[tilespmem:$0x1C400] =	vst v63  }
0x96: {  	_ =	swait.ge [sflag:s26], $0x4000  }
0x97: {  	[sflag:s26] =	ssyncset.done $0x0  }
0x98: {  	[sflag:s26] =	ssyncadd.s32 $0xFFFFC000  }
0x99: {  	_ =	swait.ge [sflag:s1], $0x80  }
0x9a: {  	[sflag:s1] =	ssyncset.done $0x0  }
0x9b: {  	[sflag:s1] =	ssyncadd.s32 $0xFFFFFF80  }
0x9c: {  	_ =	swait.ge [sflag:s1], $0x80  }
0x9d: {  	[sflag:s1] =	ssyncset.done $0x0  }
0x9e: {  	[sflag:s1] =	ssyncadd.s32 $0xFFFFFF80  }
0x9f: {  	[tilespmem:s5], [sflag:$0x2] =	stream.indirect.gather [hbm4b:s4+s29], $0x80, s29, s29, $0xb8;
	[tilespmem:$0x1C400] =	vst v63  }
.Ltmp3:
0xa0: {  	_ = 	snop;
	(pc) =	sbr.rel .LBB2_2-.Ltmp3, $4  }
0xa1: {  	s13 =	sadd.s32 s24, s15  }
0xa2: {  	[tilespmem:s7], [sflag:$0x6] =	stream.linear.gather [hbm4b:s13+s3], $0x80, $0x38;
	[tilespmem:$0x1C400] =	vst v63  }
0xa3: {  	s31 =	sadd.s32 s24, s14;
	s24 =	sadd.s32 $0x40, s24  }
0xa4: {  	[tilespmem:s8], [sflag:$0x6] =	stream.linear.gather [hbm4b:s31+s3], $0x80, $0x38;
	[tilespmem:$0x1C400] =	vst v63  }
.LBB2_5:
0xa5: {  	_ =	sfence.sel $0x180000  }
0xa6: {  	[bflag:$0x0] =	sbarrier.arrive $0xFFFF  }
0xa7: {  	_ =	strace $0x9000004D  }
0xa8: {  	s0 =	stileid.u32;
	[bflag:$0x2] =	sbarrier.arrive $0xFFFF  }
0xa9: {  	p0 =	sne.s32 s0, $0x0;
	s0 =	rddreg [dreg:$0x3]  }
0xaa: {  	s0 =	sadd.s32 @!p0 $0x100000, s0  }
0xab: {  	[sflag:s0] =	ssyncadd.tile.s32 @!p0 $0x1;
	_ =	shalt  }
.Lfunc_end2:
_tile_overlayer_lowered:
.L_overlay_start_2:
0xac: {  	(tag) =	ssettag $0x2  }
0xad: {  	s0 =	rddreg [dreg:$0x0];
	s2 =	stileid.u32  }
0xae: {  	s1 =	rddreg [dreg:$0x1];
	p0 =	sne.s32 s2, $0x0  }
0xaf: {  	s3 =	rddreg [dreg:$0x2];
	[bflag:$0x3] =	sbarrier.arrive $0xFFFF;
	s2 =	simm.s32 @!p0 $0x1C07  }
0xb0: {  	[timem:s3], [sflag:s2] =	dma.local @!p0 [hbm:s0], s1  }
0xb1: {  	s0 =	simm.s32 @!p0 $0x7  }
0xb2: {  	_ =	swait.ge @!p0 [sflag:s0], s1  }
0xb3: {  	s1 =	ssub.s32 @!p0 $0x0, s1;
	[sflag:s0] =	ssyncset.done @!p0 $0x0  }
0xb4: {  	[sflag:s0] =	ssyncadd.s32 @!p0 s1  }
0xb5: {  	[bflag:$0x3] =	sbarrier.arrive $0xFFFF  }
0xb6: {  	_ =	shalt  }

// kernel: kernel.9.cloned.1.call-start
scs
__scs_entry_jumppad:
0x0: {  	(pc) =	sbr.rel $0x88, $3  }
0x1: {  	(tag) =	ssettag $0x0;
	lr =	simm.s32 $0x1  }
0x2: {  	[smem:$0x3F93] =	sst lr;
	_ =	strace $0xD0000000  }
0x3: {  	_ = 	snop  }
0x4: {  	_ = 	snop  }
0x5: {  	_ = 	snop  }
0x6: {  	_ = 	snop  }
0x7: {  	_ = 	snop  }
__scs_overlays_trampoline_lowered:
0x8: {  	[smem:$0x3FA2] =	sst s0  }
0x9: {  	[smem:$0x3FA3] =	sst s1  }
0xa: {  	[smem:$0x3FA4] =	sst s2  }
0xb: {  	[smem:$0x3FA5] =	sst s3  }
0xc: {  	[smem:$0x3FA6] =	sst s4  }
0xd: {  	[smem:$0x3FA7] =	sst s5  }
0xe: {  	[smem:$0x3FA8] =	sst s6  }
0xf: {  	[smem:$0x3FA9] =	sst s7  }
0x10: {  	[smem:$0x3FAA] =	sst s8  }
0x11: {  	[smem:$0x3FAB] =	sst s9;
	s0 =	simm.s32 @!p0 $0x0  }
0x12: {  	s1 =	sld [smem:$0x3F91];
	s0 =	simm.s32 @p0 $0x1  }
0x13: {  	[smem:$0x3FAC] =	sst s0;
	s0 =	simm.s32 @!p1 $0x0  }
0x14: {  	s2 =	sld [smem:$0x3F90];
	s0 =	simm.s32 @p1 $0x1  }
0x15: {  	[smem:$0x3FAD] =	sst s0;
	s0 =	simm.s32 @!p2 $0x0  }
0x16: {  	s3 =	sld [smem:$0x3FDB];
	s0 =	simm.s32 @p2 $0x1  }
0x17: {  	s4 =	simm.s32 $0x1BF5;
	[smem:$0x3FAF] =	sst s0  }
0x18: {  	s0 =	sld [smem:$0x3F92];
	_ =	swait.ge [sflag:s4], $0x0  }
0x19: {  	s7 =	sld [smem:$0x3F93]  }
0x1a: {  	s8 =	sadd.s32 $0xFFFFE003, lr  }
0x1b: {  	s9 =	sadd.s32 $0xFFFFFEF7, lr;
	s5 =	simm.s32 $0xFFFFFFFF;
	p2 =	slt.u32 s8, $0xFFFFF086  }
0x1c: {  	p1 =	slt.u32 s9, $0xF7A;
	s5 =	simm.s32 @!p2 $0x0  }
0x1d: {  	s5 =	simm.s32 @p1 $0x1;
	p0 =	seq.s32 s7, s2  }
0x1e: {  	s7 =	smul.u32 @!p0 $0xF7A, s2;
	p2 =	seq.s32 @!p0 s5, $0x0  }
0x1f: {  	s9 =	smul.u32 $0xF7A, s1;
	s8 =	simm.s32 @!p0 $0x1BF5;
	p2 =	por !p2, p0  }
0x20: {  	[sflag:s8] =	ssyncset.s32 @!p0 $0xFFFFF086;
	s6 =	sadd.s32 @!p0 s3, s7;
	s7 =	simm.s32 @!p0 $0x108  }
0x21: {  	s3 =	sadd.s32 s3, s9;
	s6 =	sadd.s32 @!p0 $0x88, s6;
	s7 =	simm.s32 @p2 $0x1082  }
0x22: {  	[simem:s7], [sflag:s8] =	dma.local @!p0 [hbm:s6], $0xF7A  }
0x23: {  	s9 =	sor.u32 $0xD0000000, s2;
	s6 =	simm.s32 $0x108;
	_ =	swait.ge @!p0 [sflag:s8], $0x0  }
0x24: {  	s3 =	sadd.s32 $0x88, s3;
	s6 =	simm.s32 @!p1 $0x1082;
	[sflag:s4] =	ssyncset.s32 $0xFFFFF086  }
0x25: {  	[simem:s6], [sflag:s4] =	dma.local [hbm:s3], $0xF7A  }
0x26: {  	[smem:$0x3F93] =	sst s1;
	(tag) =	ssettag s2;
	_ =	strace s9  }
0x27: {  	s1 =	sld [smem:$0x3FA3]  }
0x28: {  	s2 =	sld [smem:$0x3FA4]  }
0x29: {  	s4 =	sld [smem:$0x3FA6]  }
0x2a: {  	p0 =	seq.s32 s5, $0x0;
	s5 =	sld [smem:$0x3FA7]  }
0x2b: {  	s6 =	sld [smem:$0x3FA8]  }
0x2c: {  	s7 =	sld [smem:$0x3FA9]  }
0x2d: {  	s3 =	simm.s32 $0x108;
	s8 =	sld [smem:$0x3FAA]  }
0x2e: {  	s3 =	simm.s32 @!p0 $0x1082;
	s9 =	sld [smem:$0x3FAB]  }
0x2f: {  	lr =	sadd.s32 s0, s3;
	s0 =	sld [smem:$0x3FA2]  }
0x30: {  	s3 =	sld [smem:$0x3FA5]  }
0x31: {  	[smem:$0x3FAE] =	sst s10  }
0x32: {  	s10 =	sld [smem:$0x3FAC];
	_ =	sdelay $0x3  }
0x33: {  	p0 =	seq.s32 s10, $0x1;
	s10 =	sld [smem:$0x3FAE];
	_ =	sdelay $0x3  }
0x34: {  	[smem:$0x3FAE] =	sst s10  }
0x35: {  	s10 =	sld [smem:$0x3FAD];
	_ =	sdelay $0x3  }
0x36: {  	p1 =	seq.s32 s10, $0x1;
	s10 =	sld [smem:$0x3FAE];
	_ =	sdelay $0x3  }
0x37: {  	[smem:$0x3FAE] =	sst s10  }
0x38: {  	s10 =	sld [smem:$0x3FAF]  }
0x39: {  	_ = 	snop;
	(pc) =	sbr.ind lr, $3  }
0x3a: {  	_ = 	snop  }
0x3b: {  	_ = 	snop  }
0x3c: {  	p2 =	seq.s32 s10, $0x1;
	s10 =	sld [smem:$0x3FAE]  }
0x3d: {  	_ =	shalt  }
0x3e: {  	_ =	shalt  }
0x3f: {  	_ =	shalt  }
0x40: {  	_ =	shalt  }
0x41: {  	_ =	shalt  }
0x42: {  	_ =	shalt  }
0x43: {  	_ =	shalt  }
0x44: {  	_ =	shalt  }
0x45: {  	_ =	shalt  }
0x46: {  	_ =	shalt  }
0x47: {  	_ =	shalt  }
0x48: {  	_ =	shalt  }
0x49: {  	_ =	shalt  }
0x4a: {  	_ =	shalt  }
0x4b: {  	_ =	shalt  }
0x4c: {  	_ =	shalt  }
0x4d: {  	_ =	shalt  }
0x4e: {  	_ =	shalt  }
0x4f: {  	_ =	shalt  }
0x50: {  	_ =	shalt  }
0x51: {  	_ =	shalt  }
0x52: {  	_ =	shalt  }
0x53: {  	_ =	shalt  }
0x54: {  	_ =	shalt  }
0x55: {  	_ =	shalt  }
0x56: {  	_ =	shalt  }
0x57: {  	_ =	shalt  }
0x58: {  	_ =	shalt  }
0x59: {  	_ =	shalt  }
0x5a: {  	_ =	shalt  }
0x5b: {  	_ =	shalt  }
0x5c: {  	_ =	shalt  }
0x5d: {  	_ =	shalt  }
0x5e: {  	_ =	shalt  }
0x5f: {  	_ =	shalt  }
0x60: {  	_ =	shalt  }
0x61: {  	_ =	shalt  }
0x62: {  	_ =	shalt  }
0x63: {  	_ =	shalt  }
0x64: {  	_ =	shalt  }
0x65: {  	_ =	shalt  }
0x66: {  	_ =	shalt  }
0x67: {  	_ =	shalt  }
0x68: {  	_ =	shalt  }
0x69: {  	_ =	shalt  }
0x6a: {  	_ =	shalt  }
0x6b: {  	_ =	shalt  }
0x6c: {  	_ =	shalt  }
0x6d: {  	_ =	shalt  }
0x6e: {  	_ =	shalt  }
0x6f: {  	_ =	shalt  }
0x70: {  	_ =	shalt  }
0x71: {  	_ =	shalt  }
0x72: {  	_ =	shalt  }
0x73: {  	_ =	shalt  }
0x74: {  	_ =	shalt  }
0x75: {  	_ =	shalt  }
0x76: {  	_ =	shalt  }
0x77: {  	_ =	shalt  }
0x78: {  	_ =	shalt  }
0x79: {  	_ =	shalt  }
0x7a: {  	_ =	shalt  }
0x7b: {  	_ =	shalt  }
0x7c: {  	_ =	shalt  }
0x7d: {  	_ =	shalt  }
0x7e: {  	_ =	shalt  }
0x7f: {  	_ =	shalt  }
0x80: {  	_ =	shalt  }
0x81: {  	_ =	shalt  }
0x82: {  	_ =	shalt  }
0x83: {  	_ =	shalt  }
0x84: {  	_ =	shalt  }
0x85: {  	_ =	shalt  }
0x86: {  	_ =	shalt  }
0x87: {  	_ =	shalt  }
.Lfunc_end0:
.L_simem_size_0:
called_computation_lowered:
.L_overlay_start_0:
0x88: {  	s2 =	sld [smem:$0x3FD9]  }
0x89: {  	s3 =	sld [smem:$0x3FFE];
	_ =	sdelay $0x1  }
0x8a: {  	s1 =	srdreg.scid  }
0x8b: {  	s0 =	sand.u32 $0x1, s1  }
0x8c: {  	s17 =	sshll.u32 s0, $0xA;
	s2 =	sadd.s32 s3, s2  }
0x8d: {  	s2 =	sadd.s32 s2, s17  }
0x8e: {  	[smem:$0x3FBA] =	sst s2  }
0x8f: {  	_ = 	snop  }
0x90: {  	(tm) =	ssettm $0x1  }
0x91: {  	s18 =	sld [smem:$0x3FFB];
	_ =	sdelay $0x3  }
0x92: {  	_ =	strace s18  }
0x93: {  	s2 =	sld [smem:$0x3FFC];
	_ =	sdelay $0x3  }
0x94: {  	_ =	strace s2  }
0x95: {  	s2 =	sld [smem:$0x3FFD];
	_ =	sdelay $0x3  }
0x96: {  	_ =	strace s2  }
0x97: {  	_ =	strace $0x8FFFFFFF  }
0x98: {  	s19 =	sld [smem:$0x3FDB];
	_ =	sdelay $0x1  }
0x99: {  	s20 =	simm.s32 $_scs_section_size  }
0x9a: {  	s4 =	simm.s32 $_size__tile_overlayer_lowered;
	s5 =	simm.s32 $_tile_overlayer_lowered  }
0x9b: {  	s6 =	simm.s32 $0x1BFF;
	s21 =	sshll.u32 s5, $0x1;
	s3 =	sadd.s32 s20, s19  }
0x9c: {  	s22 =	simm.s32 $0x0;
	s4 =	sshll.u32 s4, $0x1;
	s5 =	sadd.s32 s21, s3  }
0x9d: {  	[timem:s22], [sflag:s6] =	dma.local [hbm:s5], s4  }
0x9e: {  	_ =	swait.ge [sflag:s6], s4  }
0x9f: {  	s4 =	ssub.s32 $0x0, s4;
	[sflag:s6] =	ssyncset.done $0x0  }
0xa0: {  	[sflag:s6] =	ssyncadd.s32 s4;
	_ =	sdelay $0x1  }
0xa1: {  	s23 =	simm.s32 $0x1B8B  }
0xa2: {  	_ =	swait.ge [sflag:s23], $0x1  }
0xa3: {  	[sflag:s23] =	ssyncset.done $0x0  }
0xa4: {  	[sflag:s23] =	ssyncadd.s32 $0xFFFFFFFF  }
0xa5: {  	s4 =	sld [smem:$0x0]  }
0xa6: {  	s5 =	sand.u32 $0xFFFFFFFE, s1  }
0xa7: {  	p0 =	sne.s32 s1, s5  }
0xa8: {  	s5 =	sshll.u32 @p0 s5, $0xE  }
0xa9: {  	s5 =	sadd.s32 @p0 $0x11B8D, s5;
	s6 =	sshll.u32 @p0 s4, $0x11  }
0xaa: {  	s5 =	sor.u32 @p0 s6, s5  }
0xab: {  	[sflag:s5] =	ssyncadd.remote.s32 @p0 $0x1;
	_ =	sdelay $0x1  }
0xac: {  	s5 =	simm.s32 @p0 $0x1B8D  }
0xad: {  	_ =	swait.eq @p0 [sflag:s5], $0x1  }
0xae: {  	[sflag:s5] =	ssyncadd.s32 @p0 $0xFFFFFFFF  }
0xaf: {  	s6 =	sshll.u32 @!p0 s1, $0xE  }
0xb0: {  	s6 =	sor.u32 @!p0 $0x4000, s6;
	s5 =	simm.s32 @!p0 $0x1B8D  }
0xb1: {  	s4 =	sshll.u32 @!p0 s4, $0x11;
	s6 =	sadd.s32 @!p0 $0x11B8D, s6;
	_ =	swait.eq @!p0 [sflag:s5], $0x1  }
0xb2: {  	s4 =	sor.u32 @!p0 s4, s6;
	[sflag:s5] =	ssyncadd.s32 @!p0 $0xFFFFFFFF  }
0xb3: {  	s25 =	simm.s32 $0x1B8E;
	s24 =	sld [smem:$0x3FFE];
	[sflag:s4] =	ssyncadd.remote.s32 @!p0 $0x1  }
0xb4: {  	s26 =	simm.s32 $execute0_lowered;
	[smem:$0x3FD2] =	sst s25  }
0xb5: {  	s5 =	sshll.u32 s26, $0x1;
	_ =	strace $0x80000049;
	[dreg:$0x1] =	wrdreg $0xFFFFFFFF  }
0xb6: {  	s28 =	simm.s32 $_size_execute0_lowered;
	s3 =	sadd.s32 s3, s5;
	[dreg:$0x0] =	wrdreg $0x0  }
0xb7: {  	s5 =	sshll.u32 s28, $0x1;
	[dreg:$0x2] =	wrdreg s3  }
0xb8: {  	[dreg:$0x3] =	wrdreg s5  }
0xb9: {  	[dreg:$0x4] =	wrdreg $0xC0  }
0xba: {  	_ =	task [dreg:s22], $0x5FFFF  }
0xbb: {  	[dreg:$0x1] =	wrdreg $0xFFFFFFFF  }
0xbc: {  	[dreg:$0x0] =	wrdreg $0x60  }
0xbd: {  	[dreg:$0x2] =	wrdreg s24  }
0xbe: {  	[dreg:$0x3] =	wrdreg $0x42000  }
0xbf: {  	[dreg:$0x4] =	wrdreg $0x9  }
0xc0: {  	_ =	task.clear_ibuf [dreg:s22], $0x5FFFF;
	_ =	strace $0x90000049  }
0xc1: {  	s29 =	simm.s32 $0x9;
	_ =	strace $0x8000004B  }
0xc2: {  	_ =	swait.ge [sflag:s29], $0x1  }
0xc3: {  	[sflag:s29] =	ssyncadd.s32 $0xFFFFFFFF  }
0xc4: {  	_ =	strace $0x9000004B  }
0xc5: {  	_ =	sfence  }
0xc6: {  	s30 =	sld [smem:$0x0];
	_ =	sdelay $0x2  }
0xc7: {  	s31 =	sshll.u32 s1, $0xD;
	s1 =	sshrl.u32 s1, $0x2  }
0xc8: {  	s4 =	sand.u32 $0x4000, s31;
	s1 =	sadd.s32 s1, s30  }
0xc9: {  	s0 =	sor.u32 s4, s0;
	s1 =	sshll.u32 s1, $0x11  }
0xca: {  	s0 =	sor.u32 s1, s0  }
0xcb: {  	s0 =	sadd.s32 $0x8F2B, s0  }
0xcc: {  	[sflag:s0] =	ssyncadd.remote.s32 $0x1  }
0xcd: {  	_ =	sfence.sel $0xFFFF  }
0xce: {  	[dreg:$0x0] =	wrdreg $0xFFFFFFFF;
	(pc) =	sbr.abs _section_cstart, $3  }
0xcf: {  	[dreg:$0x1] =	wrdreg $0xFFFFFFFF  }
0xd0: {  	_ =	task.clear_ibuf [dreg:s22], $0x2FFFF;
	_ =	strace $0x9FFFFFFF  }
0xd1: {  	(tm) =	ssettm $0x7FFFFFFF  }
tec
execute0_lowered:
.L_overlay_start_1:
0x0: {  	(tag) =	ssettag $0x1  }
0x1: {  	s5 =	rddreg [dreg:$0x0]  }
0x2: {  	s2 =	rddreg [dreg:$0x1]  }
0x3: {  	s3 =	srdreg.scid;
	s0 =	rddreg [dreg:$0x2]  }
0x4: {  	s1 =	stileid.u32;
	s20 =	simm.s32 $0x80;
	s21 =	simm.s32 $0x100  }
0x5: {  	s22 =	simm.s32 $0x180;
	s23 =	simm.s32 $0x1;
	s24 =	simm.s32 $0x3  }
0x6: {  	s25 =	simm.s32 $0x4;
	s26 =	simm.s32 $0x0;
	s6 =	sand.u32 $0x1, s3  }
0x7: {  	s3 =	simm.s32 $0x0;
	s7 =	smul.u32 $0x2800, s1;
	s15 =	sadd.s32 $0x3200, s5  }
0x8: {  	s30 =	smul.u32 $0x50000, s1;
	s18 =	sshll.u32 s1, $0x6;
	s4 =	sshll.u32 s6, $0x4  }
0x9: {  	[smem:$0x7FF] =	sst s3;
	s8 =	smul.u32 $0x28000, s6;
	s31 =	ssub.s32 $0x2, s6  }
0xa: {  	s18 =	sor.u32 $0x1C05, s18;
	s4 =	sor.u32 s1, s4;
	_ =	strace $0x8000004A  }
0xb: {  	s6 =	sshrl.u32 s31, $0x1;
	s9 =	smul.u32 $0x2800, s4;
	s4 =	sadd.s32 $0xAD200, s5  }
0xc: {  	s13 =	sadd.s32 s7, s8;
	s7 =	sadd.s32 s7, s5;
	s8 =	sshrl.u32 s30, $0x2  }
0xd: {  	s11 =	ssub.s32 s31, s6;
	s10 =	sadd.s32 s13, s5;
	s19 =	sadd.s32 s8, s2  }
0xe: {  	s6 =	sadd.s32 $0x35200, s7;
	s12 =	sor.u32 $0x380, s13;
	s11 =	smax.u32 s11, $0x1  }
0xf: {  	s14 =	sor.u32 $0x300, s13;
	s16 =	sor.u32 $0x280, s13;
	s13 =	sor.u32 $0x200, s13  }
0x10: {  	s9 =	sshrl.u32 s9, $0x3;
	s12 =	sshrl.u32 s12, $0x3;
	s10 =	sadd.s32 $0xADA00, s10  }
.Ltmp0:
0x11: {  	s14 =	sshrl.u32 s14, $0x3;
	s16 =	sshrl.u32 s16, $0x3;
	(pc) =	sbr.rel .LBB2_1-.Ltmp0, $4  }
0x12: {  	s17 =	sshrl.u32 s13, $0x3;
	s19 =	sshrl.u32 s19, $0x3;
	s5 =	sadd.s32 s15, s9  }
0x13: {  	s12 =	sadd.s32 s12, s15;
	s13 =	sadd.s32 s14, s15;
	s14 =	sadd.s32 s16, s15  }
0x14: {  	s15 =	sadd.s32 s17, s15;
	s16 =	simm.s32 $0x200;
	s17 =	simm.s32 $0x5  }
0x15: {  	s7 =	sadd.s32 $0x10, s5;
	s8 =	sadd.s32 $0x20, s5;
	s9 =	sadd.s32 $0x30, s5  }
.LBB2_4:
0x16: {  	_ =	swait.ge [sflag:s25], $0x80  }
0x17: {  	[sflag:s25] =	ssyncset.done $0x0  }
0x18: {  	[sflag:s25] =	ssyncadd.s32 $0xFFFFFF80  }
0x19: {  	[spmem:s2] =	stream.indirect.scatter.add.f32 [tilespmem:s16], [sflag:$0x5], $0x80, s22, s20, $0xb8;
	[tilespmem:$0x18200] =	vst v63  }
0x1a: {  	_ =	swait.ge [sflag:s17], $0x4000  }
0x1b: {  	s26 =	sadd.s32 $0x1, s26;
	[sflag:s17] =	ssyncset.done $0x0  }
0x1c: {  	p0 =	sne.s32 s26, s11;
	[sflag:s17] =	ssyncadd.s32 $0xFFFFC000  }
.Ltmp1:
0x1d: {  	[bflag:$0x0] =	sbarrier.arrive $0xFFFF;
	(pc) =	sbr.rel @!p0 .LBB2_5-.Ltmp1, $4  }
0x1e: {  	[hbm:s10], [sflag:s18] =	dma.local [spmem:s19], $0x2800  }
0x1f: {  	_ =	swait.ge [sflag:s17], $0x2800  }
0x20: {  	[sflag:s17] =	ssyncset.done $0x0  }
0x21: {  	[sflag:s17] =	ssyncadd.s32 $0xFFFFD800  }
.LBB2_1:
0x22: {  	[tilespmem:s16], [sflag:$0x5] =	stream.linear.gather [hbm4b:s4+s3], $0x4000, $0x38;
	[tilespmem:$0x18200] =	vst v63  }
0x23: {  	_ =	swait.ge [sflag:s17], $0x4000  }
0x24: {  	[sflag:s17] =	ssyncset.done $0x0  }
0x25: {  	[sflag:s17] =	ssyncadd.s32 $0xFFFFC000  }
0x26: {  	[spmem:s19], [sflag:s18] =	dma.local [hbm:s6], $0x2800  }
0x27: {  	_ =	swait.ge [sflag:s17], $0x2800  }
0x28: {  	[sflag:s17] =	ssyncset.done $0x0  }
0x29: {  	[sflag:s17] =	ssyncadd.s32 $0xFFFFD800  }
0x2a: {  	[bflag:$0x0] =	sbarrier.arrive $0xFFFF  }
0x2b: {  	[tilespmem:s3], [sflag:$0x1] =	stream.linear.gather [hbm4b:s5+s3], $0x80, $0x38;
	[tilespmem:$0x18200] =	vst v63  }
0x2c: {  	_ = 	snop  }
0x2d: {  	[tilespmem:s20], [sflag:$0x2] =	stream.linear.gather [hbm4b:s7+s3], $0x80, $0x38;
	[tilespmem:$0x18200] =	vst v63  }
0x2e: {  	_ = 	snop  }
0x2f: {  	[tilespmem:s21], [sflag:$0x3] =	stream.linear.gather [hbm4b:s8+s3], $0x80, $0x38;
	[tilespmem:$0x18200] =	vst v63  }
0x30: {  	s28 =	simm.s32 $0x0  }
0x31: {  	[tilespmem:s22], [sflag:$0x4] =	stream.linear.gather [hbm4b:s9+s3], $0x80, $0x38;
	[tilespmem:$0x18200] =	vst v63  }
.LBB2_2:
0x32: {  	_ =	swait.ge [sflag:s23], $0x80  }
0x33: {  	[sflag:s23] =	ssyncset.done $0x0  }
0x34: {  	[sflag:s23] =	ssyncadd.s32 $0xFFFFFF80  }
0x35: {  	[spmem:s2] =	stream.indirect.scatter.add.f32 [tilespmem:s16], [sflag:$0x5], $0x80, s3, s20, $0xb8;
	[tilespmem:$0x18200] =	vst v63  }
0x36: {  	_ =	swait.ge [sflag:s17], $0x4000  }
0x37: {  	p0 =	seq.s32 s28, $0x4C0;
	[sflag:s17] =	ssyncset.done $0x0  }
0x38: {  	s29 =	simm.s32 @p0 $0x2;
	[sflag:s17] =	ssyncadd.s32 $0xFFFFC000  }
0x39: {  	_ =	swait.ge @p0 [sflag:s29], $0x80  }
0x3a: {  	[sflag:s29] =	ssyncset.done @p0 $0x0  }
0x3b: {  	s30 =	simm.s32 @p0 $0x200;
	[sflag:s29] =	ssyncadd.s32 @p0 $0xFFFFFF80;
	s29 =	simm.s32 @p0 $0x80  }
0x3c: {  	[spmem:s2] =	stream.indirect.scatter.add.f32 @p0 [tilespmem:s30], [sflag:$0x5], $0x80, s29, s29, $0xb8;
	[tilespmem:$0x18200] =	vst v63  }
0x3d: {  	s29 =	simm.s32 @p0 $0x5  }
0x3e: {  	_ =	swait.ge @p0 [sflag:s29], $0x4000  }
0x3f: {  	[sflag:s29] =	ssyncset.done @p0 $0x0  }
0x40: {  	s30 =	simm.s32 @!p0 $0x0;
	[sflag:s29] =	ssyncadd.s32 @p0 $0xFFFFC000;
	s29 =	sadd.s32 @!p0 s28, s15  }
0x41: {  	[tilespmem:s30], [sflag:$0x1] =	stream.linear.gather @!p0 [hbm4b:s29+s30], $0x80, $0x38;
	[tilespmem:$0x18200] =	vst v63  }
0x42: {  	s29 =	simm.s32 @!p0 $0x2  }
0x43: {  	_ =	swait.ge @!p0 [sflag:s29], $0x80  }
0x44: {  	[sflag:s29] =	ssyncset.done @!p0 $0x0  }
0x45: {  	s31 =	simm.s32 @!p0 $0x200;
	[sflag:s29] =	ssyncadd.s32 @!p0 $0xFFFFFF80;
	s29 =	simm.s32 @!p0 $0x80  }
0x46: {  	[spmem:s2] =	stream.indirect.scatter.add.f32 @!p0 [tilespmem:s31], [sflag:$0x5], $0x80, s29, s29, $0xb8;
	[tilespmem:$0x18200] =	vst v63  }
0x47: {  	s31 =	simm.s32 @!p0 $0x5  }
0x48: {  	_ =	swait.ge @!p0 [sflag:s31], $0x4000  }
0x49: {  	[sflag:s31] =	ssyncset.done @!p0 $0x0  }
0x4a: {  	[sflag:s31] =	ssyncadd.s32 @!p0 $0xFFFFC000;
	s31 =	sadd.s32 @!p0 s28, s14  }
0x4b: {  	[tilespmem:s29], [sflag:$0x2] =	stream.linear.gather @!p0 [hbm4b:s31+s30], $0x80, $0x38;
	[tilespmem:$0x18200] =	vst v63  }
0x4c: {  	_ =	swait.ge [sflag:s24], $0x80  }
0x4d: {  	[sflag:s24] =	ssyncset.done $0x0  }
.Ltmp2:
0x4e: {  	[sflag:s24] =	ssyncadd.s32 $0xFFFFFF80;
	(pc) =	sbr.rel @p0 .LBB2_4-.Ltmp2, $4  }
0x4f: {  	[spmem:s2] =	stream.indirect.scatter.add.f32 [tilespmem:s16], [sflag:$0x5], $0x80, s21, s20, $0xb8;
	[tilespmem:$0x18200] =	vst v63  }
0x50: {  	_ =	swait.ge [sflag:s17], $0x4000  }
0x51: {  	[sflag:s17] =	ssyncset.done $0x0  }
0x52: {  	[sflag:s17] =	ssyncadd.s32 $0xFFFFC000  }
0x53: {  	s29 =	sadd.s32 s28, s13  }
0x54: {  	[tilespmem:s21], [sflag:$0x3] =	stream.linear.gather [hbm4b:s29+s3], $0x80, $0x38;
	[tilespmem:$0x18200] =	vst v63  }
0x55: {  	_ =	swait.ge [sflag:s25], $0x80  }
0x56: {  	[sflag:s25] =	ssyncset.done $0x0  }
0x57: {  	[sflag:s25] =	ssyncadd.s32 $0xFFFFFF80  }
0x58: {  	[spmem:s2] =	stream.indirect.scatter.add.f32 [tilespmem:s16], [sflag:$0x5], $0x80, s22, s20, $0xb8;
	[tilespmem:$0x18200] =	vst v63  }
.Ltmp3:
0x59: {  	_ = 	snop;
	(pc) =	sbr.rel .LBB2_2-.Ltmp3, $4  }
0x5a: {  	_ =	swait.ge [sflag:s17], $0x4000  }
0x5b: {  	[sflag:s17] =	ssyncset.done $0x0  }
0x5c: {  	s31 =	sadd.s32 s28, s12;
	s28 =	sadd.s32 $0x40, s28;
	[sflag:s17] =	ssyncadd.s32 $0xFFFFC000  }
0x5d: {  	[tilespmem:s22], [sflag:$0x4] =	stream.linear.gather [hbm4b:s31+s3], $0x80, $0x38;
	[tilespmem:$0x18200] =	vst v63  }
.LBB2_5:
0x5e: {  	_ =	sfence.sel $0x180000  }
0x5f: {  	[bflag:$0x0] =	sbarrier.arrive $0xFFFF  }
0x60: {  	p0 =	sne.s32 s1, $0x0;
	_ =	strace $0x9000004A  }
0x61: {  	s0 =	sadd.s32 @!p0 $0x100000, s0;
	[bflag:$0x2] =	sbarrier.arrive $0xFFFF  }
0x62: {  	[sflag:s0] =	ssyncadd.tile.s32 @!p0 $0x1;
	_ =	shalt  }
.Lfunc_end2:
_tile_overlayer_lowered:
.L_overlay_start_2:
0x63: {  	(tag) =	ssettag $0x2  }
0x64: {  	s0 =	rddreg [dreg:$0x0];
	s2 =	stileid.u32  }
0x65: {  	s1 =	rddreg [dreg:$0x1];
	p0 =	sne.s32 s2, $0x0  }
0x66: {  	s3 =	rddreg [dreg:$0x2];
	[bflag:$0x3] =	sbarrier.arrive $0xFFFF;
	s2 =	simm.s32 @!p0 $0x1C05  }
0x67: {  	[timem:s3], [sflag:s2] =	dma.local @!p0 [hbm:s0], s1  }
0x68: {  	s0 =	simm.s32 @!p0 $0x5  }
0x69: {  	_ =	swait.ge @!p0 [sflag:s0], s1  }
0x6a: {  	s1 =	ssub.s32 @!p0 $0x0, s1;
	[sflag:s0] =	ssyncset.done @!p0 $0x0  }
0x6b: {  	[sflag:s0] =	ssyncadd.s32 @!p0 s1  }
0x6c: {  	[bflag:$0x3] =	sbarrier.arrive $0xFFFF  }
0x6d: {  	_ =	shalt  }

</sc_bundles>
